<compile_context>
chip_gen: v7x
topology: tpu7x:2x2x1
jax: 0.10.2.dev20260603
libtpu: 0.0.44.dev20260713+nightly
codegen_flags: <defaults>
</compile_context>

<pallas_src>
import functools

import jax
import jax.numpy as jnp
from jax import lax
from jax.experimental import pallas as pl
from jax.experimental.pallas import tpu as pltpu
from jax.experimental.pallas import tpu_sc as plsc

B = 4096
F = 26
V = 100000
D = 32
BN_EPS = 1e-3
BN_SCALE = 1.0 / (1.0 + BN_EPS) ** 0.5

NC = 2
NS = 16
NW = NC * NS
BF = B * F
PER_W = BF // NW
CHUNK = 128
NCHUNK = PER_W // CHUNK
GROUPS = CHUNK // 16


def _sc_mesh():
    return plsc.VectorSubcoreMesh(core_axis_name="c", subcore_axis_name="s")


@functools.partial(
    pl.kernel,
    mesh=_sc_mesh(),
    compiler_params=pltpu.CompilerParams(
        use_tc_tiling_on_sc=False, needs_layout_passes=False
    ),
    out_type=jax.ShapeDtypeStruct((BF,), jnp.float32),
    scratch_types=[
        pltpu.VMEM((NCHUNK, CHUNK), jnp.int32),
        pltpu.VMEM((2 * CHUNK, D), jnp.float32),
        pltpu.VMEM((PER_W,), jnp.float32),
        pltpu.SemaphoreType.DMA,
        pltpu.SemaphoreType.DMA,
    ],
)
def _sc_gather_bi(table_hbm, idx_hbm, out_hbm, idx_v, rows_v, bi_v, sem0, sem1):
    cid = lax.axis_index("c")
    sid = lax.axis_index("s")
    wid = sid * NC + cid

    pltpu.sync_copy(idx_hbm.at[wid], idx_v)

    sems = (sem0, sem1)

    def rbuf(buf):
        return rows_v.at[pl.ds(buf * CHUNK, CHUNK)]

    def start(j, buf):
        pltpu.async_copy(table_hbm.at[idx_v.at[j]], rbuf(buf), sems[buf])

    def wait(j, buf):
        pltpu.make_async_copy(
            table_hbm.at[idx_v.at[j]], rbuf(buf), sems[buf]
        ).wait()

    lane = lax.iota(jnp.int32, 16)

    def compute(j, buf):
        def group(g, carry):
            row0 = g * 16
            ridx = buf * CHUNK + row0 + lane
            acc = jnp.zeros((16,), jnp.float32)
            acc2 = jnp.zeros((16,), jnp.float32)
            for d in range(D):
                col = jnp.full((16,), d, jnp.int32)
                v = plsc.load_gather(rows_v, [ridx, col])
                acc = acc + v
                acc2 = acc2 + v * v
            bi_v[pl.ds(j * CHUNK + row0, 16)] = 0.5 * (acc * acc - acc2)
            return carry
        lax.fori_loop(0, GROUPS, group, 0)

    start(0, 0)

    def pair(j, carry):
        start(j + 1, 1)
        wait(j, 0)
        compute(j, 0)

        @pl.when(j + 2 < NCHUNK)
        def _():
            start(j + 2, 0)

        wait(j + 1, 1)
        compute(j + 1, 1)
        return carry

    lax.fori_loop(0, NCHUNK // 2, lambda i, c: pair(i * 2, c), 0)

    pltpu.sync_copy(bi_v, out_hbm.at[pl.ds(wid * PER_W, PER_W)])


BLK = 1024


def _mlp_body(bi_ref, gamma_ref, beta_ref, w1_ref, b1_ref, w2_ref, b2_ref,
              w3_ref, b3_ref, wout_ref, out_ref):
    bn = bi_ref[...] * (gamma_ref[...] * BN_SCALE) + beta_ref[...]
    h = jnp.dot(bn, w1_ref[...], preferred_element_type=jnp.float32)
    h = jnp.maximum(h + b1_ref[...], 0.0)
    h = jnp.dot(h, w2_ref[...], preferred_element_type=jnp.float32)
    h = jnp.maximum(h + b2_ref[...], 0.0)
    h = jnp.dot(h, w3_ref[...], preferred_element_type=jnp.float32)
    h = jnp.maximum(h + b3_ref[...], 0.0)
    y = jnp.dot(h, wout_ref[...], preferred_element_type=jnp.float32)
    out_ref[...] = jax.nn.sigmoid(y)


def _rep(shape):
    return pl.BlockSpec(shape, lambda i: (0,) * len(shape))


def _mlp(bi, bn_gamma, bn_beta, W1, b1, W2, b2, W3, b3, Wout):
    h1, h2, h3 = W1.shape[1], W2.shape[1], W3.shape[1]
    return pl.pallas_call(
        _mlp_body,
        grid=(B // BLK,),
        in_specs=[
            pl.BlockSpec((BLK, F), lambda i: (i, 0)),
            _rep((1, F)),
            _rep((1, F)),
            _rep((F, h1)),
            _rep((1, h1)),
            _rep((h1, h2)),
            _rep((1, h2)),
            _rep((h2, h3)),
            _rep((1, h3)),
            _rep((h3, 1)),
        ],
        out_specs=pl.BlockSpec((BLK, 1), lambda i: (i, 0)),
        out_shape=jax.ShapeDtypeStruct((B, 1), jnp.float32),
    )(bi, bn_gamma.reshape(1, F), bn_beta.reshape(1, F), W1,
      b1.reshape(1, h1), W2, b2.reshape(1, h2), W3, b3.reshape(1, h3), Wout)


@jax.jit
def kernel(inputs, tables, bn_gamma, bn_beta, W1, b1, W2, b2, W3, b3, Wout):
    flat_table = tables.reshape(F * V, D)
    flat_idx = (inputs + (jnp.arange(F, dtype=jnp.int32) * V)[None, :])
    flat_idx = flat_idx.reshape(NW, NCHUNK, CHUNK)
    bi = _sc_gather_bi(flat_table, flat_idx).reshape(B, F)
    return _mlp(bi, bn_gamma, bn_beta, W1, b1, W2, b2, W3, b3, Wout)

# --- scband reference (transcript-rebuilt; emitter-appended) ---
"""Pipeline reference for scband-nfm-88201448391486 (READ-ONLY COPY).

The authoritative reference and input builder live on the scoring server;
editing this copy changes nothing except your own understanding.
"""

import jax, jax.numpy as jnp
import numpy as np

B = 4096
F = 26
V = 100000
D = 32
HID = [256, 128, 64]
BN_EPS = 1e-3


def setup_inputs(seed: int = 0) -> dict:
    key = jax.random.key(seed)
    ks = jax.random.split(key, 8)
    inputs = jax.random.randint(ks[0], (B, F), 0, V, dtype=jnp.int32)
    # Embedding tables: Keras 'uniform' initializer (-0.05, 0.05); all fields share feat_num/embed_dim so stack them.
    tables = jax.random.uniform(ks[1], (F, V, D), dtype=jnp.float32, minval=-0.05, maxval=0.05)
    bn_gamma = jnp.ones((F,), dtype=jnp.float32)
    bn_beta = jnp.zeros((F,), dtype=jnp.float32)
    W1 = jax.random.normal(ks[2], (F, HID[0]), dtype=jnp.float32) * 0.05
    b1 = jnp.zeros((HID[0],), dtype=jnp.float32)
    W2 = jax.random.normal(ks[3], (HID[0], HID[1]), dtype=jnp.float32) * 0.05
    b2 = jnp.zeros((HID[1],), dtype=jnp.float32)
    W3 = jax.random.normal(ks[4], (HID[1], HID[2]), dtype=jnp.float32) * 0.05
    b3 = jnp.zeros((HID[2],), dtype=jnp.float32)
    Wout = jax.random.normal(ks[5], (HID[2], 1), dtype=jnp.float32) * 0.05
    return {"inputs": inputs, "tables": tables, "bn_gamma": bn_gamma, "bn_beta": bn_beta,
            "W1": W1, "b1": b1, "W2": W2, "b2": b2, "W3": W3, "b3": b3, "Wout": Wout}


def reference(inputs, tables, bn_gamma, bn_beta, W1, b1, W2, b2, W3, b3, Wout):
    # per-field embedding lookup: embed[b, f] = tables[f, inputs[b, f]]  -> [B, F, D]
    embed = tables[jnp.arange(F)[None, :], inputs]
    # NFM bi-interaction as written in the original (reductions over the last axis)
    first_part = jnp.square(jnp.sum(embed, axis=-1))          # [B, F]
    second_part = jnp.sum(jnp.square(embed), axis=-1)          # [B, F]
    bi = 0.5 * (first_part - second_part)
    # dropout inactive at inference; BatchNorm in inference mode with moving_mean=0, moving_var=1
    bn = bn_gamma * bi / jnp.sqrt(1.0 + BN_EPS) + bn_beta
    h = jax.nn.relu(bn @ W1 + b1)
    h = jax.nn.relu(h @ W2 + b2)
    h = jax.nn.relu(h @ W3 + b3)
    y = jax.nn.sigmoid(h @ Wout)
    return y

if __name__ == "__main__":
    import jax
    _d = setup_inputs()
    print(jax.jit(kernel)(*tuple(_d.values())))

</pallas_src>

<mosaic_0001>
#map = affine_map<(d0, d1) -> (0, 0)>
#map1 = affine_map<(d0, d1) -> (0, 0, 0)>
#map2 = affine_map<(d0, d1) -> (0)>
module attributes {stable_mosaic.version = 14 : i64} {
  func.func @_sc_gather_bi(%arg0: i32, %arg1: i32, %arg2: memref<2600000x32xf32, #tpu.memory_space<hbm>>, %arg3: memref<32x26x128xi32, #tpu.memory_space<hbm>>, %arg4: memref<106496xf32, #tpu.memory_space<hbm>>, %arg5: memref<26x128xi32, #tpu.memory_space<vmem>>, %arg6: memref<256x32xf32, #tpu.memory_space<vmem>>, %arg7: memref<3328xf32, #tpu.memory_space<vmem>>, %arg8: memref<!tpu.dma_semaphore, #tpu.memory_space<semaphore_mem>>, %arg9: memref<!tpu.dma_semaphore, #tpu.memory_space<semaphore_mem>>) attributes {dimension_semantics = [#tpu.dimension_semantics<core_parallel>, #tpu.dimension_semantics<subcore_parallel>], iteration_bounds = array<i64: 2, 16>, scalar_prefetch = 0 : i64, scratch_operands = 5 : i64, tpu.core_type = #tpu.core_type<sc_vector_subcore>, window_params = [{transform_indices = #map}, {transform_indices = #map1}, {transform_indices = #map2}]} {
    %mul3A = arith.constant 2 : i32
    %mul3A_0 = arith.muli %arg1, %mul3A : i32
    %add3A = arith.addi %mul3A_0, %arg0 : i32
    "tpu.region"() ({
      %run_scoped3A = tpu.sem_alloc : memref<!tpu.dma_semaphore, #tpu.memory_space<semaphore_mem>>
      %dma_start3A_17 = arith.constant 0 : i32
      %dma_start3A_18 = arith.constant 0 : i32
      %dma_start3A_19 = tpu.memref_slice %arg3[%add3A, %dma_start3A_17, %dma_start3A_18] : memref<32x26x128xi32, #tpu.memory_space<hbm>> -> memref<1x26x128xi32, #tpu.memory_space<hbm>>
      %dma_start3A_20 = tpu.memref_squeeze %dma_start3A_19 : memref<1x26x128xi32, #tpu.memory_space<hbm>> -> memref<26x128xi32, #tpu.memory_space<hbm>>
      %dma_start3A_21 = arith.constant 0 : i32
      %dma_start3A_22 = arith.constant 0 : i32
      %dma_start3A_23 = tpu.memref_slice %arg3[%add3A, %dma_start3A_21, %dma_start3A_22] : memref<32x26x128xi32, #tpu.memory_space<hbm>> -> memref<1x26x128xi32, #tpu.memory_space<hbm>>
      %dma_start3A_24 = tpu.memref_squeeze %dma_start3A_23 : memref<1x26x128xi32, #tpu.memory_space<hbm>> -> memref<26x128xi32, #tpu.memory_space<hbm>>
      tpu.enqueue_dma source(%dma_start3A_24 : memref<26x128xi32, #tpu.memory_space<hbm>>) target(%arg5 : memref<26x128xi32, #tpu.memory_space<vmem>>) target_semaphore(%run_scoped3A : memref<!tpu.dma_semaphore, #tpu.memory_space<semaphore_mem>>)
      %dma_wait3A = arith.constant 0 : i32
      %dma_wait3A_25 = arith.constant 0 : i32
      %dma_wait3A_26 = tpu.memref_slice %arg3[%add3A, %dma_wait3A, %dma_wait3A_25] : memref<32x26x128xi32, #tpu.memory_space<hbm>> -> memref<1x26x128xi32, #tpu.memory_space<hbm>>
      %dma_wait3A_27 = tpu.memref_squeeze %dma_wait3A_26 : memref<1x26x128xi32, #tpu.memory_space<hbm>> -> memref<26x128xi32, #tpu.memory_space<hbm>>
      %dma_wait3A_28 = arith.constant 0 : i32
      %dma_wait3A_29 = arith.constant 0 : i32
      %dma_wait3A_30 = tpu.memref_slice %arg3[%add3A, %dma_wait3A_28, %dma_wait3A_29] : memref<32x26x128xi32, #tpu.memory_space<hbm>> -> memref<1x26x128xi32, #tpu.memory_space<hbm>>
      %dma_wait3A_31 = tpu.memref_squeeze %dma_wait3A_30 : memref<1x26x128xi32, #tpu.memory_space<hbm>> -> memref<26x128xi32, #tpu.memory_space<hbm>>
      tpu.wait_dma2 semaphore(%run_scoped3A : memref<!tpu.dma_semaphore, #tpu.memory_space<semaphore_mem>>) src(%dma_wait3A_31 : memref<26x128xi32, #tpu.memory_space<hbm>>) dst(%arg5 : memref<26x128xi32, #tpu.memory_space<vmem>>)
      tpu.yield
    }) : () -> ()
    %iota3A = tpu.iota {dimensions = array<i32: 0>} : vector<16xi32>
    %dma_start3A = arith.constant 0 : i32
    %dma_start3A_1 = arith.constant 0 : i32
    %dma_start3A_2 = arith.constant 0 : i32
    %dma_start3A_3 = tpu.memref_slice %arg6[%dma_start3A_1, %dma_start3A_2] : memref<256x32xf32, #tpu.memory_space<vmem>> -> memref<128x32xf32, #tpu.memory_space<vmem>>
    %dma_start3A_4 = arith.constant 0 : i32
    %dma_start3A_5 = tpu.memref_slice %arg5[%dma_start3A, %dma_start3A_4] : memref<26x128xi32, #tpu.memory_space<vmem>> -> memref<1x128xi32, #tpu.memory_space<vmem>>
    %dma_start3A_6 = tpu.memref_squeeze %dma_start3A_5 : memref<1x128xi32, #tpu.memory_space<vmem>> -> memref<128xi32, #tpu.memory_space<vmem>>
    %dma_start3A_7 = arith.constant 0 : i32
    %dma_start3A_8 = arith.constant 0 : i32
    %dma_start3A_9 = tpu.memref_slice %arg2[%dma_start3A_7, %dma_start3A_8] : memref<2600000x32xf32, #tpu.memory_space<hbm>> -> memref<2600000x32xf32, #tpu.memory_space<hbm>>
    tpu.enqueue_indirect_dma source(%dma_start3A_9 : memref<2600000x32xf32, #tpu.memory_space<hbm>>) target(%dma_start3A_3 : memref<128x32xf32, #tpu.memory_space<vmem>>) offsets(%dma_start3A_6 : memref<128xi32, #tpu.memory_space<vmem>>) semaphore(%arg8 : memref<!tpu.dma_semaphore, #tpu.memory_space<semaphore_mem>>)
    %scan3A = arith.constant 0 : i32
    %scan3A_10 = arith.constant 0 : i32
    %scan3A_11 = arith.constant 13 : i32
    %scan3A_12 = arith.addi %scan3A_10, %scan3A_11 : i32
    %scan3A_13 = arith.constant 1 : i32
    scf.for %scan3A_17 = %scan3A_10 to %scan3A_12 step %scan3A_13  : i32 {
      %mul3A_18 = arith.constant 2 : i32
      %mul3A_19 = arith.muli %scan3A_17, %mul3A_18 : i32
      %add3A_20 = arith.constant 1 : i32
      %add3A_21 = arith.addi %mul3A_19, %add3A_20 : i32
      %dma_start3A_22 = arith.constant 128 : i32
      %dma_start3A_23 = arith.constant 0 : i32
      %dma_start3A_24 = tpu.memref_slice %arg6[%dma_start3A_22, %dma_start3A_23] : memref<256x32xf32, #tpu.memory_space<vmem>> -> memref<128x32xf32, #tpu.memory_space<vmem>>
      %dma_start3A_25 = arith.constant 0 : i32
      %dma_start3A_26 = tpu.memref_slice %arg5[%add3A_21, %dma_start3A_25] : memref<26x128xi32, #tpu.memory_space<vmem>> -> memref<1x128xi32, #tpu.memory_space<vmem>>
      %dma_start3A_27 = tpu.memref_squeeze %dma_start3A_26 : memref<1x128xi32, #tpu.memory_space<vmem>> -> memref<128xi32, #tpu.memory_space<vmem>>
      %dma_start3A_28 = arith.constant 0 : i32
      %dma_start3A_29 = arith.constant 0 : i32
      %dma_start3A_30 = tpu.memref_slice %arg2[%dma_start3A_28, %dma_start3A_29] : memref<2600000x32xf32, #tpu.memory_space<hbm>> -> memref<2600000x32xf32, #tpu.memory_space<hbm>>
      tpu.enqueue_indirect_dma source(%dma_start3A_30 : memref<2600000x32xf32, #tpu.memory_space<hbm>>) target(%dma_start3A_24 : memref<128x32xf32, #tpu.memory_space<vmem>>) offsets(%dma_start3A_27 : memref<128xi32, #tpu.memory_space<vmem>>) semaphore(%arg9 : memref<!tpu.dma_semaphore, #tpu.memory_space<semaphore_mem>>)
      %dma_wait3A = arith.constant 0 : i32
      %dma_wait3A_31 = arith.constant 0 : i32
      %dma_wait3A_32 = tpu.memref_slice %arg6[%dma_wait3A, %dma_wait3A_31] : memref<256x32xf32, #tpu.memory_space<vmem>> -> memref<128x32xf32, #tpu.memory_space<vmem>>
      %dma_wait3A_33 = arith.constant 0 : i32
      %dma_wait3A_34 = tpu.memref_slice %arg5[%mul3A_19, %dma_wait3A_33] : memref<26x128xi32, #tpu.memory_space<vmem>> -> memref<1x128xi32, #tpu.memory_space<vmem>>
      %dma_wait3A_35 = tpu.memref_squeeze %dma_wait3A_34 : memref<1x128xi32, #tpu.memory_space<vmem>> -> memref<128xi32, #tpu.memory_space<vmem>>
      %dma_wait3A_36 = arith.constant 0 : i32
      %dma_wait3A_37 = arith.constant 0 : i32
      %dma_wait3A_38 = tpu.memref_slice %arg2[%dma_wait3A_36, %dma_wait3A_37] : memref<2600000x32xf32, #tpu.memory_space<hbm>> -> memref<2600000x32xf32, #tpu.memory_space<hbm>>
      tpu.wait_indirect_dma semaphore(%arg8 : memref<!tpu.dma_semaphore, #tpu.memory_space<semaphore_mem>>) src(%dma_wait3A_38 : memref<2600000x32xf32, #tpu.memory_space<hbm>>) dst(%dma_wait3A_32 : memref<128x32xf32, #tpu.memory_space<vmem>>)
      %scan3A_39 = arith.constant 0 : i32
      %scan3A_40 = arith.constant 0 : i32
      %scan3A_41 = arith.constant 8 : i32
      %scan3A_42 = arith.addi %scan3A_40, %scan3A_41 : i32
      %scan3A_43 = arith.constant 1 : i32
      scf.for %scan3A_68 = %scan3A_40 to %scan3A_42 step %scan3A_43  : i32 {
        %mul3A_69 = arith.constant 16 : i32
        %mul3A_70 = arith.muli %scan3A_68, %mul3A_69 : i32
        %add3A_71 = arith.constant 0 : i32
        %add3A_72 = arith.addi %add3A_71, %mul3A_70 : i32
        %add3A_73 = vector.broadcast %add3A_72 : i32 to vector<16xi32>
        %add3A_74 = arith.addi %add3A_73, %iota3A : vector<16xi32>
        %broadcast_in_dim3A = arith.constant 0.000000e+00 : f32
        %broadcast_in_dim3A_75 = vector.broadcast %broadcast_in_dim3A : f32 to vector<16xf32>
        %broadcast_in_dim3A_76 = arith.constant 0.000000e+00 : f32
        %broadcast_in_dim3A_77 = vector.broadcast %broadcast_in_dim3A_76 : f32 to vector<16xf32>
        %broadcast_in_dim3A_78 = arith.constant 0 : i32
        %broadcast_in_dim3A_79 = vector.broadcast %broadcast_in_dim3A_78 : i32 to vector<16xi32>
        %gather3A = tpu.vector_load_idx %arg6[%add3A_74, %broadcast_in_dim3A_79] : memref<256x32xf32, #tpu.memory_space<vmem>>[vector<16xi32>, vector<16xi32>], vector<16xf32>,
        %add3A_80 = arith.addf %broadcast_in_dim3A_75, %gather3A : vector<16xf32>
        %mul3A_81 = arith.mulf %gather3A, %gather3A : vector<16xf32>
        %add3A_82 = arith.addf %broadcast_in_dim3A_77, %mul3A_81 : vector<16xf32>
        %broadcast_in_dim3A_83 = arith.constant 1 : i32
        %broadcast_in_dim3A_84 = vector.broadcast %broadcast_in_dim3A_83 : i32 to vector<16xi32>
        %gather3A_85 = tpu.vector_load_idx %arg6[%add3A_74, %broadcast_in_dim3A_84] : memref<256x32xf32, #tpu.memory_space<vmem>>[vector<16xi32>, vector<16xi32>], vector<16xf32>,
        %add3A_86 = arith.addf %add3A_80, %gather3A_85 : vector<16xf32>
        %mul3A_87 = arith.mulf %gather3A_85, %gather3A_85 : vector<16xf32>
        %add3A_88 = arith.addf %add3A_82, %mul3A_87 : vector<16xf32>
        %broadcast_in_dim3A_89 = arith.constant 2 : i32
        %broadcast_in_dim3A_90 = vector.broadcast %broadcast_in_dim3A_89 : i32 to vector<16xi32>
        %gather3A_91 = tpu.vector_load_idx %arg6[%add3A_74, %broadcast_in_dim3A_90] : memref<256x32xf32, #tpu.memory_space<vmem>>[vector<16xi32>, vector<16xi32>], vector<16xf32>,
        %add3A_92 = arith.addf %add3A_86, %gather3A_91 : vector<16xf32>
        %mul3A_93 = arith.mulf %gather3A_91, %gather3A_91 : vector<16xf32>
        %add3A_94 = arith.addf %add3A_88, %mul3A_93 : vector<16xf32>
        %broadcast_in_dim3A_95 = arith.constant 3 : i32
        %broadcast_in_dim3A_96 = vector.broadcast %broadcast_in_dim3A_95 : i32 to vector<16xi32>
        %gather3A_97 = tpu.vector_load_idx %arg6[%add3A_74, %broadcast_in_dim3A_96] : memref<256x32xf32, #tpu.memory_space<vmem>>[vector<16xi32>, vector<16xi32>], vector<16xf32>,
        %add3A_98 = arith.addf %add3A_92, %gather3A_97 : vector<16xf32>
        %mul3A_99 = arith.mulf %gather3A_97, %gather3A_97 : vector<16xf32>
        %add3A_100 = arith.addf %add3A_94, %mul3A_99 : vector<16xf32>
        %broadcast_in_dim3A_101 = arith.constant 4 : i32
        %broadcast_in_dim3A_102 = vector.broadcast %broadcast_in_dim3A_101 : i32 to vector<16xi32>
        %gather3A_103 = tpu.vector_load_idx %arg6[%add3A_74, %broadcast_in_dim3A_102] : memref<256x32xf32, #tpu.memory_space<vmem>>[vector<16xi32>, vector<16xi32>], vector<16xf32>,
        %add3A_104 = arith.addf %add3A_98, %gather3A_103 : vector<16xf32>
        %mul3A_105 = arith.mulf %gather3A_103, %gather3A_103 : vector<16xf32>
        %add3A_106 = arith.addf %add3A_100, %mul3A_105 : vector<16xf32>
        %broadcast_in_dim3A_107 = arith.constant 5 : i32
        %broadcast_in_dim3A_108 = vector.broadcast %broadcast_in_dim3A_107 : i32 to vector<16xi32>
        %gather3A_109 = tpu.vector_load_idx %arg6[%add3A_74, %broadcast_in_dim3A_108] : memref<256x32xf32, #tpu.memory_space<vmem>>[vector<16xi32>, vector<16xi32>], vector<16xf32>,
        %add3A_110 = arith.addf %add3A_104, %gather3A_109 : vector<16xf32>
        %mul3A_111 = arith.mulf %gather3A_109, %gather3A_109 : vector<16xf32>
        %add3A_112 = arith.addf %add3A_106, %mul3A_111 : vector<16xf32>
        %broadcast_in_dim3A_113 = arith.constant 6 : i32
        %broadcast_in_dim3A_114 = vector.broadcast %broadcast_in_dim3A_113 : i32 to vector<16xi32>
        %gather3A_115 = tpu.vector_load_idx %arg6[%add3A_74, %broadcast_in_dim3A_114] : memref<256x32xf32, #tpu.memory_space<vmem>>[vector<16xi32>, vector<16xi32>], vector<16xf32>,
        %add3A_116 = arith.addf %add3A_110, %gather3A_115 : vector<16xf32>
        %mul3A_117 = arith.mulf %gather3A_115, %gather3A_115 : vector<16xf32>
        %add3A_118 = arith.addf %add3A_112, %mul3A_117 : vector<16xf32>
        %broadcast_in_dim3A_119 = arith.constant 7 : i32
        %broadcast_in_dim3A_120 = vector.broadcast %broadcast_in_dim3A_119 : i32 to vector<16xi32>
        %gather3A_121 = tpu.vector_load_idx %arg6[%add3A_74, %broadcast_in_dim3A_120] : memref<256x32xf32, #tpu.memory_space<vmem>>[vector<16xi32>, vector<16xi32>], vector<16xf32>,
        %add3A_122 = arith.addf %add3A_116, %gather3A_121 : vector<16xf32>
        %mul3A_123 = arith.mulf %gather3A_121, %gather3A_121 : vector<16xf32>
        %add3A_124 = arith.addf %add3A_118, %mul3A_123 : vector<16xf32>
        %broadcast_in_dim3A_125 = arith.constant 8 : i32
        %broadcast_in_dim3A_126 = vector.broadcast %broadcast_in_dim3A_125 : i32 to vector<16xi32>
        %gather3A_127 = tpu.vector_load_idx %arg6[%add3A_74, %broadcast_in_dim3A_126] : memref<256x32xf32, #tpu.memory_space<vmem>>[vector<16xi32>, vector<16xi32>], vector<16xf32>,
        %add3A_128 = arith.addf %add3A_122, %gather3A_127 : vector<16xf32>
        %mul3A_129 = arith.mulf %gather3A_127, %gather3A_127 : vector<16xf32>
        %add3A_130 = arith.addf %add3A_124, %mul3A_129 : vector<16xf32>
        %broadcast_in_dim3A_131 = arith.constant 9 : i32
        %broadcast_in_dim3A_132 = vector.broadcast %broadcast_in_dim3A_131 : i32 to vector<16xi32>
        %gather3A_133 = tpu.vector_load_idx %arg6[%add3A_74, %broadcast_in_dim3A_132] : memref<256x32xf32, #tpu.memory_space<vmem>>[vector<16xi32>, vector<16xi32>], vector<16xf32>,
        %add3A_134 = arith.addf %add3A_128, %gather3A_133 : vector<16xf32>
        %mul3A_135 = arith.mulf %gather3A_133, %gather3A_133 : vector<16xf32>
        %add3A_136 = arith.addf %add3A_130, %mul3A_135 : vector<16xf32>
        %broadcast_in_dim3A_137 = arith.constant 10 : i32
        %broadcast_in_dim3A_138 = vector.broadcast %broadcast_in_dim3A_137 : i32 to vector<16xi32>
        %gather3A_139 = tpu.vector_load_idx %arg6[%add3A_74, %broadcast_in_dim3A_138] : memref<256x32xf32, #tpu.memory_space<vmem>>[vector<16xi32>, vector<16xi32>], vector<16xf32>,
        %add3A_140 = arith.addf %add3A_134, %gather3A_139 : vector<16xf32>
        %mul3A_141 = arith.mulf %gather3A_139, %gather3A_139 : vector<16xf32>
        %add3A_142 = arith.addf %add3A_136, %mul3A_141 : vector<16xf32>
        %broadcast_in_dim3A_143 = arith.constant 11 : i32
        %broadcast_in_dim3A_144 = vector.broadcast %broadcast_in_dim3A_143 : i32 to vector<16xi32>
        %gather3A_145 = tpu.vector_load_idx %arg6[%add3A_74, %broadcast_in_dim3A_144] : memref<256x32xf32, #tpu.memory_space<vmem>>[vector<16xi32>, vector<16xi32>], vector<16xf32>,
        %add3A_146 = arith.addf %add3A_140, %gather3A_145 : vector<16xf32>
        %mul3A_147 = arith.mulf %gather3A_145, %gather3A_145 : vector<16xf32>
        %add3A_148 = arith.addf %add3A_142, %mul3A_147 : vector<16xf32>
        %broadcast_in_dim3A_149 = arith.constant 12 : i32
        %broadcast_in_dim3A_150 = vector.broadcast %broadcast_in_dim3A_149 : i32 to vector<16xi32>
        %gather3A_151 = tpu.vector_load_idx %arg6[%add3A_74, %broadcast_in_dim3A_150] : memref<256x32xf32, #tpu.memory_space<vmem>>[vector<16xi32>, vector<16xi32>], vector<16xf32>,
        %add3A_152 = arith.addf %add3A_146, %gather3A_151 : vector<16xf32>
        %mul3A_153 = arith.mulf %gather3A_151, %gather3A_151 : vector<16xf32>
        %add3A_154 = arith.addf %add3A_148, %mul3A_153 : vector<16xf32>
        %broadcast_in_dim3A_155 = arith.constant 13 : i32
        %broadcast_in_dim3A_156 = vector.broadcast %broadcast_in_dim3A_155 : i32 to vector<16xi32>
        %gather3A_157 = tpu.vector_load_idx %arg6[%add3A_74, %broadcast_in_dim3A_156] : memref<256x32xf32, #tpu.memory_space<vmem>>[vector<16xi32>, vector<16xi32>], vector<16xf32>,
        %add3A_158 = arith.addf %add3A_152, %gather3A_157 : vector<16xf32>
        %mul3A_159 = arith.mulf %gather3A_157, %gather3A_157 : vector<16xf32>
        %add3A_160 = arith.addf %add3A_154, %mul3A_159 : vector<16xf32>
        %broadcast_in_dim3A_161 = arith.constant 14 : i32
        %broadcast_in_dim3A_162 = vector.broadcast %broadcast_in_dim3A_161 : i32 to vector<16xi32>
        %gather3A_163 = tpu.vector_load_idx %arg6[%add3A_74, %broadcast_in_dim3A_162] : memref<256x32xf32, #tpu.memory_space<vmem>>[vector<16xi32>, vector<16xi32>], vector<16xf32>,
        %add3A_164 = arith.addf %add3A_158, %gather3A_163 : vector<16xf32>
        %mul3A_165 = arith.mulf %gather3A_163, %gather3A_163 : vector<16xf32>
        %add3A_166 = arith.addf %add3A_160, %mul3A_165 : vector<16xf32>
        %broadcast_in_dim3A_167 = arith.constant 15 : i32
        %broadcast_in_dim3A_168 = vector.broadcast %broadcast_in_dim3A_167 : i32 to vector<16xi32>
        %gather3A_169 = tpu.vector_load_idx %arg6[%add3A_74, %broadcast_in_dim3A_168] : memref<256x32xf32, #tpu.memory_space<vmem>>[vector<16xi32>, vector<16xi32>], vector<16xf32>,
        %add3A_170 = arith.addf %add3A_164, %gather3A_169 : vector<16xf32>
        %mul3A_171 = arith.mulf %gather3A_169, %gather3A_169 : vector<16xf32>
        %add3A_172 = arith.addf %add3A_166, %mul3A_171 : vector<16xf32>
        %broadcast_in_dim3A_173 = arith.constant 16 : i32
        %broadcast_in_dim3A_174 = vector.broadcast %broadcast_in_dim3A_173 : i32 to vector<16xi32>
        %gather3A_175 = tpu.vector_load_idx %arg6[%add3A_74, %broadcast_in_dim3A_174] : memref<256x32xf32, #tpu.memory_space<vmem>>[vector<16xi32>, vector<16xi32>], vector<16xf32>,
        %add3A_176 = arith.addf %add3A_170, %gather3A_175 : vector<16xf32>
        %mul3A_177 = arith.mulf %gather3A_175, %gather3A_175 : vector<16xf32>
        %add3A_178 = arith.addf %add3A_172, %mul3A_177 : vector<16xf32>
        %broadcast_in_dim3A_179 = arith.constant 17 : i32
        %broadcast_in_dim3A_180 = vector.broadcast %broadcast_in_dim3A_179 : i32 to vector<16xi32>
        %gather3A_181 = tpu.vector_load_idx %arg6[%add3A_74, %broadcast_in_dim3A_180] : memref<256x32xf32, #tpu.memory_space<vmem>>[vector<16xi32>, vector<16xi32>], vector<16xf32>,
        %add3A_182 = arith.addf %add3A_176, %gather3A_181 : vector<16xf32>
        %mul3A_183 = arith.mulf %gather3A_181, %gather3A_181 : vector<16xf32>
        %add3A_184 = arith.addf %add3A_178, %mul3A_183 : vector<16xf32>
        %broadcast_in_dim3A_185 = arith.constant 18 : i32
        %broadcast_in_dim3A_186 = vector.broadcast %broadcast_in_dim3A_185 : i32 to vector<16xi32>
        %gather3A_187 = tpu.vector_load_idx %arg6[%add3A_74, %broadcast_in_dim3A_186] : memref<256x32xf32, #tpu.memory_space<vmem>>[vector<16xi32>, vector<16xi32>], vector<16xf32>,
        %add3A_188 = arith.addf %add3A_182, %gather3A_187 : vector<16xf32>
        %mul3A_189 = arith.mulf %gather3A_187, %gather3A_187 : vector<16xf32>
        %add3A_190 = arith.addf %add3A_184, %mul3A_189 : vector<16xf32>
        %broadcast_in_dim3A_191 = arith.constant 19 : i32
        %broadcast_in_dim3A_192 = vector.broadcast %broadcast_in_dim3A_191 : i32 to vector<16xi32>
        %gather3A_193 = tpu.vector_load_idx %arg6[%add3A_74, %broadcast_in_dim3A_192] : memref<256x32xf32, #tpu.memory_space<vmem>>[vector<16xi32>, vector<16xi32>], vector<16xf32>,
        %add3A_194 = arith.addf %add3A_188, %gather3A_193 : vector<16xf32>
        %mul3A_195 = arith.mulf %gather3A_193, %gather3A_193 : vector<16xf32>
        %add3A_196 = arith.addf %add3A_190, %mul3A_195 : vector<16xf32>
        %broadcast_in_dim3A_197 = arith.constant 20 : i32
        %broadcast_in_dim3A_198 = vector.broadcast %broadcast_in_dim3A_197 : i32 to vector<16xi32>
        %gather3A_199 = tpu.vector_load_idx %arg6[%add3A_74, %broadcast_in_dim3A_198] : memref<256x32xf32, #tpu.memory_space<vmem>>[vector<16xi32>, vector<16xi32>], vector<16xf32>,
        %add3A_200 = arith.addf %add3A_194, %gather3A_199 : vector<16xf32>
        %mul3A_201 = arith.mulf %gather3A_199, %gather3A_199 : vector<16xf32>
        %add3A_202 = arith.addf %add3A_196, %mul3A_201 : vector<16xf32>
        %broadcast_in_dim3A_203 = arith.constant 21 : i32
        %broadcast_in_dim3A_204 = vector.broadcast %broadcast_in_dim3A_203 : i32 to vector<16xi32>
        %gather3A_205 = tpu.vector_load_idx %arg6[%add3A_74, %broadcast_in_dim3A_204] : memref<256x32xf32, #tpu.memory_space<vmem>>[vector<16xi32>, vector<16xi32>], vector<16xf32>,
        %add3A_206 = arith.addf %add3A_200, %gather3A_205 : vector<16xf32>
        %mul3A_207 = arith.mulf %gather3A_205, %gather3A_205 : vector<16xf32>
        %add3A_208 = arith.addf %add3A_202, %mul3A_207 : vector<16xf32>
        %broadcast_in_dim3A_209 = arith.constant 22 : i32
        %broadcast_in_dim3A_210 = vector.broadcast %broadcast_in_dim3A_209 : i32 to vector<16xi32>
        %gather3A_211 = tpu.vector_load_idx %arg6[%add3A_74, %broadcast_in_dim3A_210] : memref<256x32xf32, #tpu.memory_space<vmem>>[vector<16xi32>, vector<16xi32>], vector<16xf32>,
        %add3A_212 = arith.addf %add3A_206, %gather3A_211 : vector<16xf32>
        %mul3A_213 = arith.mulf %gather3A_211, %gather3A_211 : vector<16xf32>
        %add3A_214 = arith.addf %add3A_208, %mul3A_213 : vector<16xf32>
        %broadcast_in_dim3A_215 = arith.constant 23 : i32
        %broadcast_in_dim3A_216 = vector.broadcast %broadcast_in_dim3A_215 : i32 to vector<16xi32>
        %gather3A_217 = tpu.vector_load_idx %arg6[%add3A_74, %broadcast_in_dim3A_216] : memref<256x32xf32, #tpu.memory_space<vmem>>[vector<16xi32>, vector<16xi32>], vector<16xf32>,
        %add3A_218 = arith.addf %add3A_212, %gather3A_217 : vector<16xf32>
        %mul3A_219 = arith.mulf %gather3A_217, %gather3A_217 : vector<16xf32>
        %add3A_220 = arith.addf %add3A_214, %mul3A_219 : vector<16xf32>
        %broadcast_in_dim3A_221 = arith.constant 24 : i32
        %broadcast_in_dim3A_222 = vector.broadcast %broadcast_in_dim3A_221 : i32 to vector<16xi32>
        %gather3A_223 = tpu.vector_load_idx %arg6[%add3A_74, %broadcast_in_dim3A_222] : memref<256x32xf32, #tpu.memory_space<vmem>>[vector<16xi32>, vector<16xi32>], vector<16xf32>,
        %add3A_224 = arith.addf %add3A_218, %gather3A_223 : vector<16xf32>
        %mul3A_225 = arith.mulf %gather3A_223, %gather3A_223 : vector<16xf32>
        %add3A_226 = arith.addf %add3A_220, %mul3A_225 : vector<16xf32>
        %broadcast_in_dim3A_227 = arith.constant 25 : i32
        %broadcast_in_dim3A_228 = vector.broadcast %broadcast_in_dim3A_227 : i32 to vector<16xi32>
        %gather3A_229 = tpu.vector_load_idx %arg6[%add3A_74, %broadcast_in_dim3A_228] : memref<256x32xf32, #tpu.memory_space<vmem>>[vector<16xi32>, vector<16xi32>], vector<16xf32>,
        %add3A_230 = arith.addf %add3A_224, %gather3A_229 : vector<16xf32>
        %mul3A_231 = arith.mulf %gather3A_229, %gather3A_229 : vector<16xf32>
        %add3A_232 = arith.addf %add3A_226, %mul3A_231 : vector<16xf32>
        %broadcast_in_dim3A_233 = arith.constant 26 : i32
        %broadcast_in_dim3A_234 = vector.broadcast %broadcast_in_dim3A_233 : i32 to vector<16xi32>
        %gather3A_235 = tpu.vector_load_idx %arg6[%add3A_74, %broadcast_in_dim3A_234] : memref<256x32xf32, #tpu.memory_space<vmem>>[vector<16xi32>, vector<16xi32>], vector<16xf32>,
        %add3A_236 = arith.addf %add3A_230, %gather3A_235 : vector<16xf32>
        %mul3A_237 = arith.mulf %gather3A_235, %gather3A_235 : vector<16xf32>
        %add3A_238 = arith.addf %add3A_232, %mul3A_237 : vector<16xf32>
        %broadcast_in_dim3A_239 = arith.constant 27 : i32
        %broadcast_in_dim3A_240 = vector.broadcast %broadcast_in_dim3A_239 : i32 to vector<16xi32>
        %gather3A_241 = tpu.vector_load_idx %arg6[%add3A_74, %broadcast_in_dim3A_240] : memref<256x32xf32, #tpu.memory_space<vmem>>[vector<16xi32>, vector<16xi32>], vector<16xf32>,
        %add3A_242 = arith.addf %add3A_236, %gather3A_241 : vector<16xf32>
        %mul3A_243 = arith.mulf %gather3A_241, %gather3A_241 : vector<16xf32>
        %add3A_244 = arith.addf %add3A_238, %mul3A_243 : vector<16xf32>
        %broadcast_in_dim3A_245 = arith.constant 28 : i32
        %broadcast_in_dim3A_246 = vector.broadcast %broadcast_in_dim3A_245 : i32 to vector<16xi32>
        %gather3A_247 = tpu.vector_load_idx %arg6[%add3A_74, %broadcast_in_dim3A_246] : memref<256x32xf32, #tpu.memory_space<vmem>>[vector<16xi32>, vector<16xi32>], vector<16xf32>,
        %add3A_248 = arith.addf %add3A_242, %gather3A_247 : vector<16xf32>
        %mul3A_249 = arith.mulf %gather3A_247, %gather3A_247 : vector<16xf32>
        %add3A_250 = arith.addf %add3A_244, %mul3A_249 : vector<16xf32>
        %broadcast_in_dim3A_251 = arith.constant 29 : i32
        %broadcast_in_dim3A_252 = vector.broadcast %broadcast_in_dim3A_251 : i32 to vector<16xi32>
        %gather3A_253 = tpu.vector_load_idx %arg6[%add3A_74, %broadcast_in_dim3A_252] : memref<256x32xf32, #tpu.memory_space<vmem>>[vector<16xi32>, vector<16xi32>], vector<16xf32>,
        %add3A_254 = arith.addf %add3A_248, %gather3A_253 : vector<16xf32>
        %mul3A_255 = arith.mulf %gather3A_253, %gather3A_253 : vector<16xf32>
        %add3A_256 = arith.addf %add3A_250, %mul3A_255 : vector<16xf32>
        %broadcast_in_dim3A_257 = arith.constant 30 : i32
        %broadcast_in_dim3A_258 = vector.broadcast %broadcast_in_dim3A_257 : i32 to vector<16xi32>
        %gather3A_259 = tpu.vector_load_idx %arg6[%add3A_74, %broadcast_in_dim3A_258] : memref<256x32xf32, #tpu.memory_space<vmem>>[vector<16xi32>, vector<16xi32>], vector<16xf32>,
        %add3A_260 = arith.addf %add3A_254, %gather3A_259 : vector<16xf32>
        %mul3A_261 = arith.mulf %gather3A_259, %gather3A_259 : vector<16xf32>
        %add3A_262 = arith.addf %add3A_256, %mul3A_261 : vector<16xf32>
        %broadcast_in_dim3A_263 = arith.constant 31 : i32
        %broadcast_in_dim3A_264 = vector.broadcast %broadcast_in_dim3A_263 : i32 to vector<16xi32>
        %gather3A_265 = tpu.vector_load_idx %arg6[%add3A_74, %broadcast_in_dim3A_264] : memref<256x32xf32, #tpu.memory_space<vmem>>[vector<16xi32>, vector<16xi32>], vector<16xf32>,
        %add3A_266 = arith.addf %add3A_260, %gather3A_265 : vector<16xf32>
        %mul3A_267 = arith.mulf %gather3A_265, %gather3A_265 : vector<16xf32>
        %add3A_268 = arith.addf %add3A_262, %mul3A_267 : vector<16xf32>
        %mul3A_269 = arith.mulf %add3A_266, %add3A_266 : vector<16xf32>
        %sub3A = arith.subf %mul3A_269, %add3A_268 : vector<16xf32>
        %mul3A_270 = arith.constant 5.000000e-01 : f32
        %mul3A_271 = vector.broadcast %mul3A_270 : f32 to vector<16xf32>
        %mul3A_272 = arith.mulf %mul3A_271, %sub3A : vector<16xf32>
        %mul3A_273 = arith.constant 128 : i32
        %mul3A_274 = arith.muli %mul3A_19, %mul3A_273 : i32
        %add3A_275 = arith.addi %mul3A_274, %mul3A_70 : i32
        %swap3A = arith.index_cast %add3A_275 : i32 to index
        %swap3A_276 = tpu.vector_load %arg7[%swap3A] {strides = array<i32>} : memref<3328xf32, #tpu.memory_space<vmem>>, vector<16xf32>,
        tpu.vector_store %arg7[%swap3A], %mul3A_272 {strides = array<i32>} : memref<3328xf32, #tpu.memory_space<vmem>>, vector<16xf32>,
      }
      %scan3A_44 = arith.constant 8 : i32
      %add3A_45 = arith.constant 2 : i32
      %add3A_46 = arith.addi %mul3A_19, %add3A_45 : i32
      %lt3A = arith.constant 26 : i32
      %lt3A_47 = arith.cmpi slt, %add3A_46, %lt3A : i32
      %convert_element_type3A = arith.extui %lt3A_47 : i1 to i32
      %cond3A = arith.constant 0 : i32
      %cond3A_48 = arith.cmpi ne, %convert_element_type3A, %cond3A : i32
      scf.if %cond3A_48 {
        %add3A_68 = arith.constant 2 : i32
        %add3A_69 = arith.addi %mul3A_19, %add3A_68 : i32
        %dma_start3A_70 = arith.constant 0 : i32
        %dma_start3A_71 = arith.constant 0 : i32
        %dma_start3A_72 = tpu.memref_slice %arg6[%dma_start3A_70, %dma_start3A_71] : memref<256x32xf32, #tpu.memory_space<vmem>> -> memref<128x32xf32, #tpu.memory_space<vmem>>
        %dma_start3A_73 = arith.constant 0 : i32
        %dma_start3A_74 = tpu.memref_slice %arg5[%add3A_69, %dma_start3A_73] : memref<26x128xi32, #tpu.memory_space<vmem>> -> memref<1x128xi32, #tpu.memory_space<vmem>>
        %dma_start3A_75 = tpu.memref_squeeze %dma_start3A_74 : memref<1x128xi32, #tpu.memory_space<vmem>> -> memref<128xi32, #tpu.memory_space<vmem>>
        %dma_start3A_76 = arith.constant 0 : i32
        %dma_start3A_77 = arith.constant 0 : i32
        %dma_start3A_78 = tpu.memref_slice %arg2[%dma_start3A_76, %dma_start3A_77] : memref<2600000x32xf32, #tpu.memory_space<hbm>> -> memref<2600000x32xf32, #tpu.memory_space<hbm>>
        tpu.enqueue_indirect_dma source(%dma_start3A_78 : memref<2600000x32xf32, #tpu.memory_space<hbm>>) target(%dma_start3A_72 : memref<128x32xf32, #tpu.memory_space<vmem>>) offsets(%dma_start3A_75 : memref<128xi32, #tpu.memory_space<vmem>>) semaphore(%arg8 : memref<!tpu.dma_semaphore, #tpu.memory_space<semaphore_mem>>)
      } else {
      }
      %add3A_49 = arith.constant 1 : i32
      %add3A_50 = arith.addi %mul3A_19, %add3A_49 : i32
      %dma_wait3A_51 = arith.constant 128 : i32
      %dma_wait3A_52 = arith.constant 0 : i32
      %dma_wait3A_53 = tpu.memref_slice %arg6[%dma_wait3A_51, %dma_wait3A_52] : memref<256x32xf32, #tpu.memory_space<vmem>> -> memref<128x32xf32, #tpu.memory_space<vmem>>
      %dma_wait3A_54 = arith.constant 0 : i32
      %dma_wait3A_55 = tpu.memref_slice %arg5[%add3A_50, %dma_wait3A_54] : memref<26x128xi32, #tpu.memory_space<vmem>> -> memref<1x128xi32, #tpu.memory_space<vmem>>
      %dma_wait3A_56 = tpu.memref_squeeze %dma_wait3A_55 : memref<1x128xi32, #tpu.memory_space<vmem>> -> memref<128xi32, #tpu.memory_space<vmem>>
      %dma_wait3A_57 = arith.constant 0 : i32
      %dma_wait3A_58 = arith.constant 0 : i32
      %dma_wait3A_59 = tpu.memref_slice %arg2[%dma_wait3A_57, %dma_wait3A_58] : memref<2600000x32xf32, #tpu.memory_space<hbm>> -> memref<2600000x32xf32, #tpu.memory_space<hbm>>
      tpu.wait_indirect_dma semaphore(%arg9 : memref<!tpu.dma_semaphore, #tpu.memory_space<semaphore_mem>>) src(%dma_wait3A_59 : memref<2600000x32xf32, #tpu.memory_space<hbm>>) dst(%dma_wait3A_53 : memref<128x32xf32, #tpu.memory_space<vmem>>)
      %add3A_60 = arith.constant 1 : i32
      %add3A_61 = arith.addi %mul3A_19, %add3A_60 : i32
      %scan3A_62 = arith.constant 0 : i32
      %scan3A_63 = arith.constant 0 : i32
      %scan3A_64 = arith.constant 8 : i32
      %scan3A_65 = arith.addi %scan3A_63, %scan3A_64 : i32
      %scan3A_66 = arith.constant 1 : i32
      scf.for %scan3A_68 = %scan3A_63 to %scan3A_65 step %scan3A_66  : i32 {
        %mul3A_69 = arith.constant 16 : i32
        %mul3A_70 = arith.muli %scan3A_68, %mul3A_69 : i32
        %add3A_71 = arith.constant 128 : i32
        %add3A_72 = arith.addi %add3A_71, %mul3A_70 : i32
        %add3A_73 = vector.broadcast %add3A_72 : i32 to vector<16xi32>
        %add3A_74 = arith.addi %add3A_73, %iota3A : vector<16xi32>
        %broadcast_in_dim3A = arith.constant 0.000000e+00 : f32
        %broadcast_in_dim3A_75 = vector.broadcast %broadcast_in_dim3A : f32 to vector<16xf32>
        %broadcast_in_dim3A_76 = arith.constant 0.000000e+00 : f32
        %broadcast_in_dim3A_77 = vector.broadcast %broadcast_in_dim3A_76 : f32 to vector<16xf32>
        %broadcast_in_dim3A_78 = arith.constant 0 : i32
        %broadcast_in_dim3A_79 = vector.broadcast %broadcast_in_dim3A_78 : i32 to vector<16xi32>
        %gather3A = tpu.vector_load_idx %arg6[%add3A_74, %broadcast_in_dim3A_79] : memref<256x32xf32, #tpu.memory_space<vmem>>[vector<16xi32>, vector<16xi32>], vector<16xf32>,
        %add3A_80 = arith.addf %broadcast_in_dim3A_75, %gather3A : vector<16xf32>
        %mul3A_81 = arith.mulf %gather3A, %gather3A : vector<16xf32>
        %add3A_82 = arith.addf %broadcast_in_dim3A_77, %mul3A_81 : vector<16xf32>
        %broadcast_in_dim3A_83 = arith.constant 1 : i32
        %broadcast_in_dim3A_84 = vector.broadcast %broadcast_in_dim3A_83 : i32 to vector<16xi32>
        %gather3A_85 = tpu.vector_load_idx %arg6[%add3A_74, %broadcast_in_dim3A_84] : memref<256x32xf32, #tpu.memory_space<vmem>>[vector<16xi32>, vector<16xi32>], vector<16xf32>,
        %add3A_86 = arith.addf %add3A_80, %gather3A_85 : vector<16xf32>
        %mul3A_87 = arith.mulf %gather3A_85, %gather3A_85 : vector<16xf32>
        %add3A_88 = arith.addf %add3A_82, %mul3A_87 : vector<16xf32>
        %broadcast_in_dim3A_89 = arith.constant 2 : i32
        %broadcast_in_dim3A_90 = vector.broadcast %broadcast_in_dim3A_89 : i32 to vector<16xi32>
        %gather3A_91 = tpu.vector_load_idx %arg6[%add3A_74, %broadcast_in_dim3A_90] : memref<256x32xf32, #tpu.memory_space<vmem>>[vector<16xi32>, vector<16xi32>], vector<16xf32>,
        %add3A_92 = arith.addf %add3A_86, %gather3A_91 : vector<16xf32>
        %mul3A_93 = arith.mulf %gather3A_91, %gather3A_91 : vector<16xf32>
        %add3A_94 = arith.addf %add3A_88, %mul3A_93 : vector<16xf32>
        %broadcast_in_dim3A_95 = arith.constant 3 : i32
        %broadcast_in_dim3A_96 = vector.broadcast %broadcast_in_dim3A_95 : i32 to vector<16xi32>
        %gather3A_97 = tpu.vector_load_idx %arg6[%add3A_74, %broadcast_in_dim3A_96] : memref<256x32xf32, #tpu.memory_space<vmem>>[vector<16xi32>, vector<16xi32>], vector<16xf32>,
        %add3A_98 = arith.addf %add3A_92, %gather3A_97 : vector<16xf32>
        %mul3A_99 = arith.mulf %gather3A_97, %gather3A_97 : vector<16xf32>
        %add3A_100 = arith.addf %add3A_94, %mul3A_99 : vector<16xf32>
        %broadcast_in_dim3A_101 = arith.constant 4 : i32
        %broadcast_in_dim3A_102 = vector.broadcast %broadcast_in_dim3A_101 : i32 to vector<16xi32>
        %gather3A_103 = tpu.vector_load_idx %arg6[%add3A_74, %broadcast_in_dim3A_102] : memref<256x32xf32, #tpu.memory_space<vmem>>[vector<16xi32>, vector<16xi32>], vector<16xf32>,
        %add3A_104 = arith.addf %add3A_98, %gather3A_103 : vector<16xf32>
        %mul3A_105 = arith.mulf %gather3A_103, %gather3A_103 : vector<16xf32>
        %add3A_106 = arith.addf %add3A_100, %mul3A_105 : vector<16xf32>
        %broadcast_in_dim3A_107 = arith.constant 5 : i32
        %broadcast_in_dim3A_108 = vector.broadcast %broadcast_in_dim3A_107 : i32 to vector<16xi32>
        %gather3A_109 = tpu.vector_load_idx %arg6[%add3A_74, %broadcast_in_dim3A_108] : memref<256x32xf32, #tpu.memory_space<vmem>>[vector<16xi32>, vector<16xi32>], vector<16xf32>,
        %add3A_110 = arith.addf %add3A_104, %gather3A_109 : vector<16xf32>
        %mul3A_111 = arith.mulf %gather3A_109, %gather3A_109 : vector<16xf32>
        %add3A_112 = arith.addf %add3A_106, %mul3A_111 : vector<16xf32>
        %broadcast_in_dim3A_113 = arith.constant 6 : i32
        %broadcast_in_dim3A_114 = vector.broadcast %broadcast_in_dim3A_113 : i32 to vector<16xi32>
        %gather3A_115 = tpu.vector_load_idx %arg6[%add3A_74, %broadcast_in_dim3A_114] : memref<256x32xf32, #tpu.memory_space<vmem>>[vector<16xi32>, vector<16xi32>], vector<16xf32>,
        %add3A_116 = arith.addf %add3A_110, %gather3A_115 : vector<16xf32>
        %mul3A_117 = arith.mulf %gather3A_115, %gather3A_115 : vector<16xf32>
        %add3A_118 = arith.addf %add3A_112, %mul3A_117 : vector<16xf32>
        %broadcast_in_dim3A_119 = arith.constant 7 : i32
        %broadcast_in_dim3A_120 = vector.broadcast %broadcast_in_dim3A_119 : i32 to vector<16xi32>
        %gather3A_121 = tpu.vector_load_idx %arg6[%add3A_74, %broadcast_in_dim3A_120] : memref<256x32xf32, #tpu.memory_space<vmem>>[vector<16xi32>, vector<16xi32>], vector<16xf32>,
        %add3A_122 = arith.addf %add3A_116, %gather3A_121 : vector<16xf32>
        %mul3A_123 = arith.mulf %gather3A_121, %gather3A_121 : vector<16xf32>
        %add3A_124 = arith.addf %add3A_118, %mul3A_123 : vector<16xf32>
        %broadcast_in_dim3A_125 = arith.constant 8 : i32
        %broadcast_in_dim3A_126 = vector.broadcast %broadcast_in_dim3A_125 : i32 to vector<16xi32>
        %gather3A_127 = tpu.vector_load_idx %arg6[%add3A_74, %broadcast_in_dim3A_126] : memref<256x32xf32, #tpu.memory_space<vmem>>[vector<16xi32>, vector<16xi32>], vector<16xf32>,
        %add3A_128 = arith.addf %add3A_122, %gather3A_127 : vector<16xf32>
        %mul3A_129 = arith.mulf %gather3A_127, %gather3A_127 : vector<16xf32>
        %add3A_130 = arith.addf %add3A_124, %mul3A_129 : vector<16xf32>
        %broadcast_in_dim3A_131 = arith.constant 9 : i32
        %broadcast_in_dim3A_132 = vector.broadcast %broadcast_in_dim3A_131 : i32 to vector<16xi32>
        %gather3A_133 = tpu.vector_load_idx %arg6[%add3A_74, %broadcast_in_dim3A_132] : memref<256x32xf32, #tpu.memory_space<vmem>>[vector<16xi32>, vector<16xi32>], vector<16xf32>,
        %add3A_134 = arith.addf %add3A_128, %gather3A_133 : vector<16xf32>
        %mul3A_135 = arith.mulf %gather3A_133, %gather3A_133 : vector<16xf32>
        %add3A_136 = arith.addf %add3A_130, %mul3A_135 : vector<16xf32>
        %broadcast_in_dim3A_137 = arith.constant 10 : i32
        %broadcast_in_dim3A_138 = vector.broadcast %broadcast_in_dim3A_137 : i32 to vector<16xi32>
        %gather3A_139 = tpu.vector_load_idx %arg6[%add3A_74, %broadcast_in_dim3A_138] : memref<256x32xf32, #tpu.memory_space<vmem>>[vector<16xi32>, vector<16xi32>], vector<16xf32>,
        %add3A_140 = arith.addf %add3A_134, %gather3A_139 : vector<16xf32>
        %mul3A_141 = arith.mulf %gather3A_139, %gather3A_139 : vector<16xf32>
        %add3A_142 = arith.addf %add3A_136, %mul3A_141 : vector<16xf32>
        %broadcast_in_dim3A_143 = arith.constant 11 : i32
        %broadcast_in_dim3A_144 = vector.broadcast %broadcast_in_dim3A_143 : i32 to vector<16xi32>
        %gather3A_145 = tpu.vector_load_idx %arg6[%add3A_74, %broadcast_in_dim3A_144] : memref<256x32xf32, #tpu.memory_space<vmem>>[vector<16xi32>, vector<16xi32>], vector<16xf32>,
        %add3A_146 = arith.addf %add3A_140, %gather3A_145 : vector<16xf32>
        %mul3A_147 = arith.mulf %gather3A_145, %gather3A_145 : vector<16xf32>
        %add3A_148 = arith.addf %add3A_142, %mul3A_147 : vector<16xf32>
        %broadcast_in_dim3A_149 = arith.constant 12 : i32
        %broadcast_in_dim3A_150 = vector.broadcast %broadcast_in_dim3A_149 : i32 to vector<16xi32>
        %gather3A_151 = tpu.vector_load_idx %arg6[%add3A_74, %broadcast_in_dim3A_150] : memref<256x32xf32, #tpu.memory_space<vmem>>[vector<16xi32>, vector<16xi32>], vector<16xf32>,
        %add3A_152 = arith.addf %add3A_146, %gather3A_151 : vector<16xf32>
        %mul3A_153 = arith.mulf %gather3A_151, %gather3A_151 : vector<16xf32>
        %add3A_154 = arith.addf %add3A_148, %mul3A_153 : vector<16xf32>
        %broadcast_in_dim3A_155 = arith.constant 13 : i32
        %broadcast_in_dim3A_156 = vector.broadcast %broadcast_in_dim3A_155 : i32 to vector<16xi32>
        %gather3A_157 = tpu.vector_load_idx %arg6[%add3A_74, %broadcast_in_dim3A_156] : memref<256x32xf32, #tpu.memory_space<vmem>>[vector<16xi32>, vector<16xi32>], vector<16xf32>,
        %add3A_158 = arith.addf %add3A_152, %gather3A_157 : vector<16xf32>
        %mul3A_159 = arith.mulf %gather3A_157, %gather3A_157 : vector<16xf32>
        %add3A_160 = arith.addf %add3A_154, %mul3A_159 : vector<16xf32>
        %broadcast_in_dim3A_161 = arith.constant 14 : i32
        %broadcast_in_dim3A_162 = vector.broadcast %broadcast_in_dim3A_161 : i32 to vector<16xi32>
        %gather3A_163 = tpu.vector_load_idx %arg6[%add3A_74, %broadcast_in_dim3A_162] : memref<256x32xf32, #tpu.memory_space<vmem>>[vector<16xi32>, vector<16xi32>], vector<16xf32>,
        %add3A_164 = arith.addf %add3A_158, %gather3A_163 : vector<16xf32>
        %mul3A_165 = arith.mulf %gather3A_163, %gather3A_163 : vector<16xf32>
        %add3A_166 = arith.addf %add3A_160, %mul3A_165 : vector<16xf32>
        %broadcast_in_dim3A_167 = arith.constant 15 : i32
        %broadcast_in_dim3A_168 = vector.broadcast %broadcast_in_dim3A_167 : i32 to vector<16xi32>
        %gather3A_169 = tpu.vector_load_idx %arg6[%add3A_74, %broadcast_in_dim3A_168] : memref<256x32xf32, #tpu.memory_space<vmem>>[vector<16xi32>, vector<16xi32>], vector<16xf32>,
        %add3A_170 = arith.addf %add3A_164, %gather3A_169 : vector<16xf32>
        %mul3A_171 = arith.mulf %gather3A_169, %gather3A_169 : vector<16xf32>
        %add3A_172 = arith.addf %add3A_166, %mul3A_171 : vector<16xf32>
        %broadcast_in_dim3A_173 = arith.constant 16 : i32
        %broadcast_in_dim3A_174 = vector.broadcast %broadcast_in_dim3A_173 : i32 to vector<16xi32>
        %gather3A_175 = tpu.vector_load_idx %arg6[%add3A_74, %broadcast_in_dim3A_174] : memref<256x32xf32, #tpu.memory_space<vmem>>[vector<16xi32>, vector<16xi32>], vector<16xf32>,
        %add3A_176 = arith.addf %add3A_170, %gather3A_175 : vector<16xf32>
        %mul3A_177 = arith.mulf %gather3A_175, %gather3A_175 : vector<16xf32>
        %add3A_178 = arith.addf %add3A_172, %mul3A_177 : vector<16xf32>
        %broadcast_in_dim3A_179 = arith.constant 17 : i32
        %broadcast_in_dim3A_180 = vector.broadcast %broadcast_in_dim3A_179 : i32 to vector<16xi32>
        %gather3A_181 = tpu.vector_load_idx %arg6[%add3A_74, %broadcast_in_dim3A_180] : memref<256x32xf32, #tpu.memory_space<vmem>>[vector<16xi32>, vector<16xi32>], vector<16xf32>,
        %add3A_182 = arith.addf %add3A_176, %gather3A_181 : vector<16xf32>
        %mul3A_183 = arith.mulf %gather3A_181, %gather3A_181 : vector<16xf32>
        %add3A_184 = arith.addf %add3A_178, %mul3A_183 : vector<16xf32>
        %broadcast_in_dim3A_185 = arith.constant 18 : i32
        %broadcast_in_dim3A_186 = vector.broadcast %broadcast_in_dim3A_185 : i32 to vector<16xi32>
        %gather3A_187 = tpu.vector_load_idx %arg6[%add3A_74, %broadcast_in_dim3A_186] : memref<256x32xf32, #tpu.memory_space<vmem>>[vector<16xi32>, vector<16xi32>], vector<16xf32>,
        %add3A_188 = arith.addf %add3A_182, %gather3A_187 : vector<16xf32>
        %mul3A_189 = arith.mulf %gather3A_187, %gather3A_187 : vector<16xf32>
        %add3A_190 = arith.addf %add3A_184, %mul3A_189 : vector<16xf32>
        %broadcast_in_dim3A_191 = arith.constant 19 : i32
        %broadcast_in_dim3A_192 = vector.broadcast %broadcast_in_dim3A_191 : i32 to vector<16xi32>
        %gather3A_193 = tpu.vector_load_idx %arg6[%add3A_74, %broadcast_in_dim3A_192] : memref<256x32xf32, #tpu.memory_space<vmem>>[vector<16xi32>, vector<16xi32>], vector<16xf32>,
        %add3A_194 = arith.addf %add3A_188, %gather3A_193 : vector<16xf32>
        %mul3A_195 = arith.mulf %gather3A_193, %gather3A_193 : vector<16xf32>
        %add3A_196 = arith.addf %add3A_190, %mul3A_195 : vector<16xf32>
        %broadcast_in_dim3A_197 = arith.constant 20 : i32
        %broadcast_in_dim3A_198 = vector.broadcast %broadcast_in_dim3A_197 : i32 to vector<16xi32>
        %gather3A_199 = tpu.vector_load_idx %arg6[%add3A_74, %broadcast_in_dim3A_198] : memref<256x32xf32, #tpu.memory_space<vmem>>[vector<16xi32>, vector<16xi32>], vector<16xf32>,
        %add3A_200 = arith.addf %add3A_194, %gather3A_199 : vector<16xf32>
        %mul3A_201 = arith.mulf %gather3A_199, %gather3A_199 : vector<16xf32>
        %add3A_202 = arith.addf %add3A_196, %mul3A_201 : vector<16xf32>
        %broadcast_in_dim3A_203 = arith.constant 21 : i32
        %broadcast_in_dim3A_204 = vector.broadcast %broadcast_in_dim3A_203 : i32 to vector<16xi32>
        %gather3A_205 = tpu.vector_load_idx %arg6[%add3A_74, %broadcast_in_dim3A_204] : memref<256x32xf32, #tpu.memory_space<vmem>>[vector<16xi32>, vector<16xi32>], vector<16xf32>,
        %add3A_206 = arith.addf %add3A_200, %gather3A_205 : vector<16xf32>
        %mul3A_207 = arith.mulf %gather3A_205, %gather3A_205 : vector<16xf32>
        %add3A_208 = arith.addf %add3A_202, %mul3A_207 : vector<16xf32>
        %broadcast_in_dim3A_209 = arith.constant 22 : i32
        %broadcast_in_dim3A_210 = vector.broadcast %broadcast_in_dim3A_209 : i32 to vector<16xi32>
        %gather3A_211 = tpu.vector_load_idx %arg6[%add3A_74, %broadcast_in_dim3A_210] : memref<256x32xf32, #tpu.memory_space<vmem>>[vector<16xi32>, vector<16xi32>], vector<16xf32>,
        %add3A_212 = arith.addf %add3A_206, %gather3A_211 : vector<16xf32>
        %mul3A_213 = arith.mulf %gather3A_211, %gather3A_211 : vector<16xf32>
        %add3A_214 = arith.addf %add3A_208, %mul3A_213 : vector<16xf32>
        %broadcast_in_dim3A_215 = arith.constant 23 : i32
        %broadcast_in_dim3A_216 = vector.broadcast %broadcast_in_dim3A_215 : i32 to vector<16xi32>
        %gather3A_217 = tpu.vector_load_idx %arg6[%add3A_74, %broadcast_in_dim3A_216] : memref<256x32xf32, #tpu.memory_space<vmem>>[vector<16xi32>, vector<16xi32>], vector<16xf32>,
        %add3A_218 = arith.addf %add3A_212, %gather3A_217 : vector<16xf32>
        %mul3A_219 = arith.mulf %gather3A_217, %gather3A_217 : vector<16xf32>
        %add3A_220 = arith.addf %add3A_214, %mul3A_219 : vector<16xf32>
        %broadcast_in_dim3A_221 = arith.constant 24 : i32
        %broadcast_in_dim3A_222 = vector.broadcast %broadcast_in_dim3A_221 : i32 to vector<16xi32>
        %gather3A_223 = tpu.vector_load_idx %arg6[%add3A_74, %broadcast_in_dim3A_222] : memref<256x32xf32, #tpu.memory_space<vmem>>[vector<16xi32>, vector<16xi32>], vector<16xf32>,
        %add3A_224 = arith.addf %add3A_218, %gather3A_223 : vector<16xf32>
        %mul3A_225 = arith.mulf %gather3A_223, %gather3A_223 : vector<16xf32>
        %add3A_226 = arith.addf %add3A_220, %mul3A_225 : vector<16xf32>
        %broadcast_in_dim3A_227 = arith.constant 25 : i32
        %broadcast_in_dim3A_228 = vector.broadcast %broadcast_in_dim3A_227 : i32 to vector<16xi32>
        %gather3A_229 = tpu.vector_load_idx %arg6[%add3A_74, %broadcast_in_dim3A_228] : memref<256x32xf32, #tpu.memory_space<vmem>>[vector<16xi32>, vector<16xi32>], vector<16xf32>,
        %add3A_230 = arith.addf %add3A_224, %gather3A_229 : vector<16xf32>
        %mul3A_231 = arith.mulf %gather3A_229, %gather3A_229 : vector<16xf32>
        %add3A_232 = arith.addf %add3A_226, %mul3A_231 : vector<16xf32>
        %broadcast_in_dim3A_233 = arith.constant 26 : i32
        %broadcast_in_dim3A_234 = vector.broadcast %broadcast_in_dim3A_233 : i32 to vector<16xi32>
        %gather3A_235 = tpu.vector_load_idx %arg6[%add3A_74, %broadcast_in_dim3A_234] : memref<256x32xf32, #tpu.memory_space<vmem>>[vector<16xi32>, vector<16xi32>], vector<16xf32>,
        %add3A_236 = arith.addf %add3A_230, %gather3A_235 : vector<16xf32>
        %mul3A_237 = arith.mulf %gather3A_235, %gather3A_235 : vector<16xf32>
        %add3A_238 = arith.addf %add3A_232, %mul3A_237 : vector<16xf32>
        %broadcast_in_dim3A_239 = arith.constant 27 : i32
        %broadcast_in_dim3A_240 = vector.broadcast %broadcast_in_dim3A_239 : i32 to vector<16xi32>
        %gather3A_241 = tpu.vector_load_idx %arg6[%add3A_74, %broadcast_in_dim3A_240] : memref<256x32xf32, #tpu.memory_space<vmem>>[vector<16xi32>, vector<16xi32>], vector<16xf32>,
        %add3A_242 = arith.addf %add3A_236, %gather3A_241 : vector<16xf32>
        %mul3A_243 = arith.mulf %gather3A_241, %gather3A_241 : vector<16xf32>
        %add3A_244 = arith.addf %add3A_238, %mul3A_243 : vector<16xf32>
        %broadcast_in_dim3A_245 = arith.constant 28 : i32
        %broadcast_in_dim3A_246 = vector.broadcast %broadcast_in_dim3A_245 : i32 to vector<16xi32>
        %gather3A_247 = tpu.vector_load_idx %arg6[%add3A_74, %broadcast_in_dim3A_246] : memref<256x32xf32, #tpu.memory_space<vmem>>[vector<16xi32>, vector<16xi32>], vector<16xf32>,
        %add3A_248 = arith.addf %add3A_242, %gather3A_247 : vector<16xf32>
        %mul3A_249 = arith.mulf %gather3A_247, %gather3A_247 : vector<16xf32>
        %add3A_250 = arith.addf %add3A_244, %mul3A_249 : vector<16xf32>
        %broadcast_in_dim3A_251 = arith.constant 29 : i32
        %broadcast_in_dim3A_252 = vector.broadcast %broadcast_in_dim3A_251 : i32 to vector<16xi32>
        %gather3A_253 = tpu.vector_load_idx %arg6[%add3A_74, %broadcast_in_dim3A_252] : memref<256x32xf32, #tpu.memory_space<vmem>>[vector<16xi32>, vector<16xi32>], vector<16xf32>,
        %add3A_254 = arith.addf %add3A_248, %gather3A_253 : vector<16xf32>
        %mul3A_255 = arith.mulf %gather3A_253, %gather3A_253 : vector<16xf32>
        %add3A_256 = arith.addf %add3A_250, %mul3A_255 : vector<16xf32>
        %broadcast_in_dim3A_257 = arith.constant 30 : i32
        %broadcast_in_dim3A_258 = vector.broadcast %broadcast_in_dim3A_257 : i32 to vector<16xi32>
        %gather3A_259 = tpu.vector_load_idx %arg6[%add3A_74, %broadcast_in_dim3A_258] : memref<256x32xf32, #tpu.memory_space<vmem>>[vector<16xi32>, vector<16xi32>], vector<16xf32>,
        %add3A_260 = arith.addf %add3A_254, %gather3A_259 : vector<16xf32>
        %mul3A_261 = arith.mulf %gather3A_259, %gather3A_259 : vector<16xf32>
        %add3A_262 = arith.addf %add3A_256, %mul3A_261 : vector<16xf32>
        %broadcast_in_dim3A_263 = arith.constant 31 : i32
        %broadcast_in_dim3A_264 = vector.broadcast %broadcast_in_dim3A_263 : i32 to vector<16xi32>
        %gather3A_265 = tpu.vector_load_idx %arg6[%add3A_74, %broadcast_in_dim3A_264] : memref<256x32xf32, #tpu.memory_space<vmem>>[vector<16xi32>, vector<16xi32>], vector<16xf32>,
        %add3A_266 = arith.addf %add3A_260, %gather3A_265 : vector<16xf32>
        %mul3A_267 = arith.mulf %gather3A_265, %gather3A_265 : vector<16xf32>
        %add3A_268 = arith.addf %add3A_262, %mul3A_267 : vector<16xf32>
        %mul3A_269 = arith.mulf %add3A_266, %add3A_266 : vector<16xf32>
        %sub3A = arith.subf %mul3A_269, %add3A_268 : vector<16xf32>
        %mul3A_270 = arith.constant 5.000000e-01 : f32
        %mul3A_271 = vector.broadcast %mul3A_270 : f32 to vector<16xf32>
        %mul3A_272 = arith.mulf %mul3A_271, %sub3A : vector<16xf32>
        %mul3A_273 = arith.constant 128 : i32
        %mul3A_274 = arith.muli %add3A_61, %mul3A_273 : i32
        %add3A_275 = arith.addi %mul3A_274, %mul3A_70 : i32
        %swap3A = arith.index_cast %add3A_275 : i32 to index
        %swap3A_276 = tpu.vector_load %arg7[%swap3A] {strides = array<i32>} : memref<3328xf32, #tpu.memory_space<vmem>>, vector<16xf32>,
        tpu.vector_store %arg7[%swap3A], %mul3A_272 {strides = array<i32>} : memref<3328xf32, #tpu.memory_space<vmem>>, vector<16xf32>,
      }
      %scan3A_67 = arith.constant 8 : i32
    }
    %scan3A_14 = arith.constant 13 : i32
    %mul3A_15 = arith.constant 3328 : i32
    %mul3A_16 = arith.muli %add3A, %mul3A_15 : i32
    "tpu.region"() ({
      %run_scoped3A = tpu.sem_alloc : memref<!tpu.dma_semaphore, #tpu.memory_space<semaphore_mem>>
      %dma_start3A_17 = tpu.memref_slice %arg4[%mul3A_16] : memref<106496xf32, #tpu.memory_space<hbm>> -> memref<3328xf32, #tpu.memory_space<hbm>>
      %dma_start3A_18 = tpu.memref_slice %arg4[%mul3A_16] : memref<106496xf32, #tpu.memory_space<hbm>> -> memref<3328xf32, #tpu.memory_space<hbm>>
      tpu.enqueue_dma source(%arg7 : memref<3328xf32, #tpu.memory_space<vmem>>) target(%dma_start3A_18 : memref<3328xf32, #tpu.memory_space<hbm>>) target_semaphore(%run_scoped3A : memref<!tpu.dma_semaphore, #tpu.memory_space<semaphore_mem>>)
      %dma_wait3A = tpu.memref_slice %arg4[%mul3A_16] : memref<106496xf32, #tpu.memory_space<hbm>> -> memref<3328xf32, #tpu.memory_space<hbm>>
      %dma_wait3A_19 = tpu.memref_slice %arg4[%mul3A_16] : memref<106496xf32, #tpu.memory_space<hbm>> -> memref<3328xf32, #tpu.memory_space<hbm>>
      tpu.wait_dma2 semaphore(%run_scoped3A : memref<!tpu.dma_semaphore, #tpu.memory_space<semaphore_mem>>) src(%arg7 : memref<3328xf32, #tpu.memory_space<vmem>>) dst(%dma_wait3A_19 : memref<3328xf32, #tpu.memory_space<hbm>>)
      tpu.yield
    }) : () -> ()
    return
  }
}

module attributes {stable_mosaic.version = 14 : i64} {
  func.func @_mlp_body(%arg0: i32, %arg1: memref<1024x26xf32, #tpu.memory_space<vmem>>, %arg2: memref<1x26xf32, #tpu.memory_space<vmem>>, %arg3: memref<1x26xf32, #tpu.memory_space<vmem>>, %arg4: memref<26x256xf32, #tpu.memory_space<vmem>>, %arg5: memref<1x256xf32, #tpu.memory_space<vmem>>, %arg6: memref<256x128xf32, #tpu.memory_space<vmem>>, %arg7: memref<1x128xf32, #tpu.memory_space<vmem>>, %arg8: memref<128x64xf32, #tpu.memory_space<vmem>>, %arg9: memref<1x64xf32, #tpu.memory_space<vmem>>, %arg10: memref<64x1xf32, #tpu.memory_space<vmem>>, %arg11: memref<1024x1xf32, #tpu.memory_space<vmem>>) attributes {dimension_semantics = [#tpu.dimension_semantics<arbitrary>], iteration_bounds = array<i64: 4>, scalar_prefetch = 0 : i64, scratch_operands = 0 : i64, tpu.core_type = #tpu.core_type<tc>, window_params = [{transform_indices = @transform_0, window_bounds = array<i64: 1024, 26>}, {pipeline_mode = #tpu.pipeline_mode<synchronous>, transform_indices = @transform_1, window_bounds = array<i64: 1, 26>}, {pipeline_mode = #tpu.pipeline_mode<synchronous>, transform_indices = @transform_2, window_bounds = array<i64: 1, 26>}, {pipeline_mode = #tpu.pipeline_mode<synchronous>, transform_indices = @transform_3, window_bounds = array<i64: 26, 256>}, {pipeline_mode = #tpu.pipeline_mode<synchronous>, transform_indices = @transform_4, window_bounds = array<i64: 1, 256>}, {pipeline_mode = #tpu.pipeline_mode<synchronous>, transform_indices = @transform_5, window_bounds = array<i64: 256, 128>}, {pipeline_mode = #tpu.pipeline_mode<synchronous>, transform_indices = @transform_6, window_bounds = array<i64: 1, 128>}, {pipeline_mode = #tpu.pipeline_mode<synchronous>, transform_indices = @transform_7, window_bounds = array<i64: 128, 64>}, {pipeline_mode = #tpu.pipeline_mode<synchronous>, transform_indices = @transform_8, window_bounds = array<i64: 1, 64>}, {pipeline_mode = #tpu.pipeline_mode<synchronous>, transform_indices = @transform_9, window_bounds = array<i64: 64, 1>}, {transform_indices = @transform_10, window_bounds = array<i64: 1024, 1>}]} {
    %get3A = arith.constant 0 : index
    %get3A_0 = arith.constant 0 : index
    %get3A_1 = vector.load %arg1[%get3A, %get3A_0] : memref<1024x26xf32, #tpu.memory_space<vmem>>, vector<1024x26xf32>
    %get3A_2 = arith.constant 0 : index
    %get3A_3 = arith.constant 0 : index
    %get3A_4 = vector.load %arg2[%get3A_2, %get3A_3] : memref<1x26xf32, #tpu.memory_space<vmem>>, vector<1x26xf32>
    %mul3A = arith.constant 0.999500393 : f32
    %mul3A_5 = vector.broadcast %mul3A : f32 to vector<1x26xf32>
    %mul3A_6 = arith.mulf %get3A_4, %mul3A_5 : vector<1x26xf32>
    %mul3A_7 = vector.broadcast %mul3A_6 : vector<1x26xf32> to vector<1024x26xf32>
    %mul3A_8 = arith.mulf %get3A_1, %mul3A_7 : vector<1024x26xf32>
    %get3A_9 = arith.constant 0 : index
    %get3A_10 = arith.constant 0 : index
    %get3A_11 = vector.load %arg3[%get3A_9, %get3A_10] : memref<1x26xf32, #tpu.memory_space<vmem>>, vector<1x26xf32>
    %add3A = vector.broadcast %get3A_11 : vector<1x26xf32> to vector<1024x26xf32>
    %add3A_12 = arith.addf %mul3A_8, %add3A : vector<1024x26xf32>
    %get3A_13 = arith.constant 0 : index
    %get3A_14 = arith.constant 0 : index
    %get3A_15 = vector.load %arg4[%get3A_13, %get3A_14] : memref<26x256xf32, #tpu.memory_space<vmem>>, vector<26x256xf32>
    %dot_general3A = arith.constant dense<0.000000e+00> : vector<1024x256xf32>
    %dot_general3A_16 = tpu.matmul %add3A_12, %get3A_15, %dot_general3A {dimension_numbers = #tpu.dot_dimension_numbers<[1], [0], [0], [1], [0, 0, 1, 1], [], []>, transpose_lhs_hint = false} : vector<1024x26xf32>, vector<26x256xf32>, vector<1024x256xf32> -> vector<1024x256xf32>
    %get3A_17 = arith.constant 0 : index
    %get3A_18 = arith.constant 0 : index
    %get3A_19 = vector.load %arg5[%get3A_17, %get3A_18] : memref<1x256xf32, #tpu.memory_space<vmem>>, vector<1x256xf32>
    %add3A_20 = vector.broadcast %get3A_19 : vector<1x256xf32> to vector<1024x256xf32>
    %add3A_21 = arith.addf %dot_general3A_16, %add3A_20 : vector<1024x256xf32>
    %max3A = arith.constant 0.000000e+00 : f32
    %max3A_22 = vector.broadcast %max3A : f32 to vector<1024x256xf32>
    %max3A_23 = arith.maximumf %add3A_21, %max3A_22 : vector<1024x256xf32>
    %get3A_24 = arith.constant 0 : index
    %get3A_25 = arith.constant 0 : index
    %get3A_26 = vector.load %arg6[%get3A_24, %get3A_25] : memref<256x128xf32, #tpu.memory_space<vmem>>, vector<256x128xf32>
    %dot_general3A_27 = arith.constant dense<0.000000e+00> : vector<1024x128xf32>
    %dot_general3A_28 = tpu.matmul %max3A_23, %get3A_26, %dot_general3A_27 {dimension_numbers = #tpu.dot_dimension_numbers<[1], [0], [0], [1], [0, 0, 1, 1], [], []>, transpose_lhs_hint = false} : vector<1024x256xf32>, vector<256x128xf32>, vector<1024x128xf32> -> vector<1024x128xf32>
    %get3A_29 = arith.constant 0 : index
    %get3A_30 = arith.constant 0 : index
    %get3A_31 = vector.load %arg7[%get3A_29, %get3A_30] : memref<1x128xf32, #tpu.memory_space<vmem>>, vector<1x128xf32>
    %add3A_32 = vector.broadcast %get3A_31 : vector<1x128xf32> to vector<1024x128xf32>
    %add3A_33 = arith.addf %dot_general3A_28, %add3A_32 : vector<1024x128xf32>
    %max3A_34 = arith.constant 0.000000e+00 : f32
    %max3A_35 = vector.broadcast %max3A_34 : f32 to vector<1024x128xf32>
    %max3A_36 = arith.maximumf %add3A_33, %max3A_35 : vector<1024x128xf32>
    %get3A_37 = arith.constant 0 : index
    %get3A_38 = arith.constant 0 : index
    %get3A_39 = vector.load %arg8[%get3A_37, %get3A_38] : memref<128x64xf32, #tpu.memory_space<vmem>>, vector<128x64xf32>
    %dot_general3A_40 = arith.constant dense<0.000000e+00> : vector<1024x64xf32>
    %dot_general3A_41 = tpu.matmul %max3A_36, %get3A_39, %dot_general3A_40 {dimension_numbers = #tpu.dot_dimension_numbers<[1], [0], [0], [1], [0, 0, 1, 1], [], []>, transpose_lhs_hint = false} : vector<1024x128xf32>, vector<128x64xf32>, vector<1024x64xf32> -> vector<1024x64xf32>
    %get3A_42 = arith.constant 0 : index
    %get3A_43 = arith.constant 0 : index
    %get3A_44 = vector.load %arg9[%get3A_42, %get3A_43] : memref<1x64xf32, #tpu.memory_space<vmem>>, vector<1x64xf32>
    %add3A_45 = vector.broadcast %get3A_44 : vector<1x64xf32> to vector<1024x64xf32>
    %add3A_46 = arith.addf %dot_general3A_41, %add3A_45 : vector<1024x64xf32>
    %max3A_47 = arith.constant 0.000000e+00 : f32
    %max3A_48 = vector.broadcast %max3A_47 : f32 to vector<1024x64xf32>
    %max3A_49 = arith.maximumf %add3A_46, %max3A_48 : vector<1024x64xf32>
    %get3A_50 = arith.constant 0 : index
    %get3A_51 = arith.constant 0 : index
    %get3A_52 = vector.load %arg10[%get3A_50, %get3A_51] : memref<64x1xf32, #tpu.memory_space<vmem>>, vector<64x1xf32>
    %dot_general3A_53 = arith.constant dense<0.000000e+00> : vector<1024x1xf32>
    %dot_general3A_54 = tpu.matmul %max3A_49, %get3A_52, %dot_general3A_53 {dimension_numbers = #tpu.dot_dimension_numbers<[1], [0], [0], [1], [0, 0, 1, 1], [], []>, transpose_lhs_hint = false} : vector<1024x64xf32>, vector<64x1xf32>, vector<1024x1xf32> -> vector<1024x1xf32>
    %logistic3A = arith.negf %dot_general3A_54 : vector<1024x1xf32>
    %logistic3A_55 = math.exp %logistic3A : vector<1024x1xf32>
    %logistic3A_56 = arith.constant 1.000000e+00 : f32
    %logistic3A_57 = vector.broadcast %logistic3A_56 : f32 to vector<1024x1xf32>
    %logistic3A_58 = arith.addf %logistic3A_57, %logistic3A_55 : vector<1024x1xf32>
    %logistic3A_59 = arith.divf %logistic3A_57, %logistic3A_58 : vector<1024x1xf32>
    %swap3A = arith.constant 0 : index
    %swap3A_60 = arith.constant 0 : index
    %swap3A_61 = vector.load %arg11[%swap3A, %swap3A_60] : memref<1024x1xf32, #tpu.memory_space<vmem>>, vector<1024x1xf32>
    tpu.vector_store %arg11[%swap3A, %swap3A_60], %logistic3A_59 {strides = array<i32>} : memref<1024x1xf32, #tpu.memory_space<vmem>>, vector<1024x1xf32>,
    return
  }
  func.func @transform_0(%arg0: i32) -> (i32, i32) {
    %c0_i32 = arith.constant 0 : i32
    %c0_i32_0 = arith.constant 0 : i32
    return %arg0, %c0_i32 : i32, i32
  }
  func.func @transform_1(%arg0: i32) -> (i32, i32) {
    %c0_i32 = arith.constant 0 : i32
    %c0_i32_0 = arith.constant 0 : i32
    %c0_i32_1 = arith.constant 0 : i32
    return %c0_i32, %c0_i32_0 : i32, i32
  }
  func.func @transform_2(%arg0: i32) -> (i32, i32) {
    %c0_i32 = arith.constant 0 : i32
    %c0_i32_0 = arith.constant 0 : i32
    %c0_i32_1 = arith.constant 0 : i32
    return %c0_i32, %c0_i32_0 : i32, i32
  }
  func.func @transform_3(%arg0: i32) -> (i32, i32) {
    %c0_i32 = arith.constant 0 : i32
    %c0_i32_0 = arith.constant 0 : i32
    %c0_i32_1 = arith.constant 0 : i32
    return %c0_i32, %c0_i32_0 : i32, i32
  }
  func.func @transform_4(%arg0: i32) -> (i32, i32) {
    %c0_i32 = arith.constant 0 : i32
    %c0_i32_0 = arith.constant 0 : i32
    %c0_i32_1 = arith.constant 0 : i32
    return %c0_i32, %c0_i32_0 : i32, i32
  }
  func.func @transform_5(%arg0: i32) -> (i32, i32) {
    %c0_i32 = arith.constant 0 : i32
    %c0_i32_0 = arith.constant 0 : i32
    %c0_i32_1 = arith.constant 0 : i32
    return %c0_i32, %c0_i32_0 : i32, i32
  }
  func.func @transform_6(%arg0: i32) -> (i32, i32) {
    %c0_i32 = arith.constant 0 : i32
    %c0_i32_0 = arith.constant 0 : i32
    %c0_i32_1 = arith.constant 0 : i32
    return %c0_i32, %c0_i32_0 : i32, i32
  }
  func.func @transform_7(%arg0: i32) -> (i32, i32) {
    %c0_i32 = arith.constant 0 : i32
    %c0_i32_0 = arith.constant 0 : i32
    %c0_i32_1 = arith.constant 0 : i32
    return %c0_i32, %c0_i32_0 : i32, i32
  }
  func.func @transform_8(%arg0: i32) -> (i32, i32) {
    %c0_i32 = arith.constant 0 : i32
    %c0_i32_0 = arith.constant 0 : i32
    %c0_i32_1 = arith.constant 0 : i32
    return %c0_i32, %c0_i32_0 : i32, i32
  }
  func.func @transform_9(%arg0: i32) -> (i32, i32) {
    %c0_i32 = arith.constant 0 : i32
    %c0_i32_0 = arith.constant 0 : i32
    %c0_i32_1 = arith.constant 0 : i32
    return %c0_i32, %c0_i32_0 : i32, i32
  }
  func.func @transform_10(%arg0: i32) -> (i32, i32) {
    %c0_i32 = arith.constant 0 : i32
    %c0_i32_0 = arith.constant 0 : i32
    return %arg0, %c0_i32 : i32, i32
  }
}

</mosaic_0001>

<sc_bundles>
// kernel: kernel.4.cloned.1.call-start
scs
__scs_entry_jumppad:
0x0: {  	(pc) =	sbr.rel $0x88, $3  }
0x1: {  	(tag) =	ssettag $0x0;
	lr =	simm.s32 $0x1  }
0x2: {  	[smem:$0x3F96] =	sst lr;
	_ =	strace $0xD0000000  }
0x3: {  	_ = 	snop  }
0x4: {  	_ = 	snop  }
0x5: {  	_ = 	snop  }
0x6: {  	_ = 	snop  }
0x7: {  	_ = 	snop  }
__scs_overlays_trampoline_lowered:
0x8: {  	[smem:$0x3FA5] =	sst s0  }
0x9: {  	[smem:$0x3FA6] =	sst s1  }
0xa: {  	[smem:$0x3FA7] =	sst s2  }
0xb: {  	[smem:$0x3FA8] =	sst s3  }
0xc: {  	[smem:$0x3FA9] =	sst s4  }
0xd: {  	[smem:$0x3FAA] =	sst s5  }
0xe: {  	[smem:$0x3FAB] =	sst s6  }
0xf: {  	[smem:$0x3FAC] =	sst s7  }
0x10: {  	[smem:$0x3FAD] =	sst s8  }
0x11: {  	[smem:$0x3FAE] =	sst s9;
	s0 =	simm.s32 @!p0 $0x0  }
0x12: {  	s1 =	sld [smem:$0x3F94];
	s0 =	simm.s32 @p0 $0x1  }
0x13: {  	[smem:$0x3FAF] =	sst s0;
	s0 =	simm.s32 @!p1 $0x0  }
0x14: {  	s2 =	sld [smem:$0x3F93];
	s0 =	simm.s32 @p1 $0x1  }
0x15: {  	[smem:$0x3FB0] =	sst s0;
	s0 =	simm.s32 @!p2 $0x0  }
0x16: {  	s3 =	sld [smem:$0x3FDB];
	s0 =	simm.s32 @p2 $0x1  }
0x17: {  	s4 =	simm.s32 $0x1BF5;
	[smem:$0x3FB2] =	sst s0  }
0x18: {  	s0 =	sld [smem:$0x3F95];
	_ =	swait.ge [sflag:s4], $0x0  }
0x19: {  	s7 =	sld [smem:$0x3F96]  }
0x1a: {  	s8 =	sadd.s32 $0xFFFFE003, lr  }
0x1b: {  	s9 =	sadd.s32 $0xFFFFFEF7, lr;
	s5 =	simm.s32 $0xFFFFFFFF;
	p2 =	slt.u32 s8, $0xFFFFF086  }
0x1c: {  	p1 =	slt.u32 s9, $0xF7A;
	s5 =	simm.s32 @!p2 $0x0  }
0x1d: {  	s5 =	simm.s32 @p1 $0x1;
	p0 =	seq.s32 s7, s2  }
0x1e: {  	s7 =	smul.u32 @!p0 $0xF7A, s2;
	p2 =	seq.s32 @!p0 s5, $0x0  }
0x1f: {  	s9 =	smul.u32 $0xF7A, s1;
	s8 =	simm.s32 @!p0 $0x1BF5;
	p2 =	por !p2, p0  }
0x20: {  	[sflag:s8] =	ssyncset.s32 @!p0 $0xFFFFF086;
	s6 =	sadd.s32 @!p0 s3, s7;
	s7 =	simm.s32 @!p0 $0x108  }
0x21: {  	s3 =	sadd.s32 s3, s9;
	s6 =	sadd.s32 @!p0 $0x88, s6;
	s7 =	simm.s32 @p2 $0x1082  }
0x22: {  	[simem:s7], [sflag:s8] =	dma.local @!p0 [hbm:s6], $0xF7A  }
0x23: {  	s9 =	sor.u32 $0xD0000000, s2;
	s6 =	simm.s32 $0x108;
	_ =	swait.ge @!p0 [sflag:s8], $0x0  }
0x24: {  	s3 =	sadd.s32 $0x88, s3;
	s6 =	simm.s32 @!p1 $0x1082;
	[sflag:s4] =	ssyncset.s32 $0xFFFFF086  }
0x25: {  	[simem:s6], [sflag:s4] =	dma.local [hbm:s3], $0xF7A  }
0x26: {  	[smem:$0x3F96] =	sst s1;
	(tag) =	ssettag s2;
	_ =	strace s9  }
0x27: {  	s1 =	sld [smem:$0x3FA6]  }
0x28: {  	s2 =	sld [smem:$0x3FA7]  }
0x29: {  	s4 =	sld [smem:$0x3FA9]  }
0x2a: {  	p0 =	seq.s32 s5, $0x0;
	s5 =	sld [smem:$0x3FAA]  }
0x2b: {  	s6 =	sld [smem:$0x3FAB]  }
0x2c: {  	s7 =	sld [smem:$0x3FAC]  }
0x2d: {  	s3 =	simm.s32 $0x108;
	s8 =	sld [smem:$0x3FAD]  }
0x2e: {  	s3 =	simm.s32 @!p0 $0x1082;
	s9 =	sld [smem:$0x3FAE]  }
0x2f: {  	lr =	sadd.s32 s0, s3;
	s0 =	sld [smem:$0x3FA5]  }
0x30: {  	s3 =	sld [smem:$0x3FA8]  }
0x31: {  	[smem:$0x3FB1] =	sst s10  }
0x32: {  	s10 =	sld [smem:$0x3FAF];
	_ =	sdelay $0x3  }
0x33: {  	p0 =	seq.s32 s10, $0x1;
	s10 =	sld [smem:$0x3FB1];
	_ =	sdelay $0x3  }
0x34: {  	[smem:$0x3FB1] =	sst s10  }
0x35: {  	s10 =	sld [smem:$0x3FB0];
	_ =	sdelay $0x3  }
0x36: {  	p1 =	seq.s32 s10, $0x1;
	s10 =	sld [smem:$0x3FB1];
	_ =	sdelay $0x3  }
0x37: {  	[smem:$0x3FB1] =	sst s10  }
0x38: {  	s10 =	sld [smem:$0x3FB2]  }
0x39: {  	_ = 	snop;
	(pc) =	sbr.ind lr, $3  }
0x3a: {  	_ = 	snop  }
0x3b: {  	_ = 	snop  }
0x3c: {  	p2 =	seq.s32 s10, $0x1;
	s10 =	sld [smem:$0x3FB1]  }
0x3d: {  	_ =	shalt  }
0x3e: {  	_ =	shalt  }
0x3f: {  	_ =	shalt  }
0x40: {  	_ =	shalt  }
0x41: {  	_ =	shalt  }
0x42: {  	_ =	shalt  }
0x43: {  	_ =	shalt  }
0x44: {  	_ =	shalt  }
0x45: {  	_ =	shalt  }
0x46: {  	_ =	shalt  }
0x47: {  	_ =	shalt  }
0x48: {  	_ =	shalt  }
0x49: {  	_ =	shalt  }
0x4a: {  	_ =	shalt  }
0x4b: {  	_ =	shalt  }
0x4c: {  	_ =	shalt  }
0x4d: {  	_ =	shalt  }
0x4e: {  	_ =	shalt  }
0x4f: {  	_ =	shalt  }
0x50: {  	_ =	shalt  }
0x51: {  	_ =	shalt  }
0x52: {  	_ =	shalt  }
0x53: {  	_ =	shalt  }
0x54: {  	_ =	shalt  }
0x55: {  	_ =	shalt  }
0x56: {  	_ =	shalt  }
0x57: {  	_ =	shalt  }
0x58: {  	_ =	shalt  }
0x59: {  	_ =	shalt  }
0x5a: {  	_ =	shalt  }
0x5b: {  	_ =	shalt  }
0x5c: {  	_ =	shalt  }
0x5d: {  	_ =	shalt  }
0x5e: {  	_ =	shalt  }
0x5f: {  	_ =	shalt  }
0x60: {  	_ =	shalt  }
0x61: {  	_ =	shalt  }
0x62: {  	_ =	shalt  }
0x63: {  	_ =	shalt  }
0x64: {  	_ =	shalt  }
0x65: {  	_ =	shalt  }
0x66: {  	_ =	shalt  }
0x67: {  	_ =	shalt  }
0x68: {  	_ =	shalt  }
0x69: {  	_ =	shalt  }
0x6a: {  	_ =	shalt  }
0x6b: {  	_ =	shalt  }
0x6c: {  	_ =	shalt  }
0x6d: {  	_ =	shalt  }
0x6e: {  	_ =	shalt  }
0x6f: {  	_ =	shalt  }
0x70: {  	_ =	shalt  }
0x71: {  	_ =	shalt  }
0x72: {  	_ =	shalt  }
0x73: {  	_ =	shalt  }
0x74: {  	_ =	shalt  }
0x75: {  	_ =	shalt  }
0x76: {  	_ =	shalt  }
0x77: {  	_ =	shalt  }
0x78: {  	_ =	shalt  }
0x79: {  	_ =	shalt  }
0x7a: {  	_ =	shalt  }
0x7b: {  	_ =	shalt  }
0x7c: {  	_ =	shalt  }
0x7d: {  	_ =	shalt  }
0x7e: {  	_ =	shalt  }
0x7f: {  	_ =	shalt  }
0x80: {  	_ =	shalt  }
0x81: {  	_ =	shalt  }
0x82: {  	_ =	shalt  }
0x83: {  	_ =	shalt  }
0x84: {  	_ =	shalt  }
0x85: {  	_ =	shalt  }
0x86: {  	_ =	shalt  }
0x87: {  	_ =	shalt  }
.Lfunc_end0:
.L_simem_size_0:
called_computation_lowered:
.L_overlay_start_0:
0x88: {  	s2 =	sld [smem:$0x3FD9]  }
0x89: {  	s3 =	sld [smem:$0x3FFE];
	_ =	sdelay $0x1  }
0x8a: {  	s1 =	srdreg.scid  }
0x8b: {  	s0 =	sand.u32 $0x1, s1  }
0x8c: {  	s16 =	sshll.u32 s0, $0xA;
	s2 =	sadd.s32 s3, s2  }
0x8d: {  	s2 =	sadd.s32 s2, s16  }
0x8e: {  	[smem:$0x3FBD] =	sst s2  }
0x8f: {  	_ = 	snop  }
0x90: {  	(tm) =	ssettm $0x1  }
0x91: {  	s17 =	sld [smem:$0x3FFB];
	_ =	sdelay $0x3  }
0x92: {  	_ =	strace s17  }
0x93: {  	s2 =	sld [smem:$0x3FFC];
	_ =	sdelay $0x3  }
0x94: {  	_ =	strace s2  }
0x95: {  	s2 =	sld [smem:$0x3FFD];
	_ =	sdelay $0x3  }
0x96: {  	_ =	strace s2  }
0x97: {  	_ =	strace $0x8FFFFFFF  }
0x98: {  	s18 =	sld [smem:$0x3FDB];
	_ =	sdelay $0x1  }
0x99: {  	s19 =	simm.s32 $_scs_section_size  }
0x9a: {  	s4 =	simm.s32 $_size__tile_overlayer_lowered;
	s5 =	simm.s32 $_tile_overlayer_lowered  }
0x9b: {  	s22 =	simm.s32 $0x1BFF;
	s21 =	sshll.u32 s5, $0x1;
	s2 =	sadd.s32 s19, s18  }
0x9c: {  	s6 =	simm.s32 $0x0;
	s20 =	sshll.u32 s4, $0x1;
	s4 =	sadd.s32 s21, s2  }
0x9d: {  	[timem:s6], [sflag:s22] =	dma.local [hbm:s4], s20  }
0x9e: {  	_ =	swait.ge [sflag:s22], s20  }
0x9f: {  	s3 =	ssub.s32 $0x0, s20;
	[sflag:s22] =	ssyncset.done $0x0  }
0xa0: {  	[sflag:s22] =	ssyncadd.s32 s3;
	_ =	sdelay $0x1  }
0xa1: {  	s23 =	simm.s32 $0x1B8B  }
0xa2: {  	_ =	swait.ge [sflag:s23], $0x1  }
0xa3: {  	[sflag:s23] =	ssyncset.done $0x0  }
0xa4: {  	s25 =	simm.s32 $0x1B8E;
	s24 =	sld [smem:$0x3FFE];
	[sflag:s23] =	ssyncadd.s32 $0xFFFFFFFF  }
0xa5: {  	s26 =	simm.s32 $execute0_lowered;
	[smem:$0x3FD2] =	sst s25  }
0xa6: {  	s4 =	sshll.u32 s26, $0x1;
	_ =	strace $0x80000046;
	[dreg:$0x1] =	wrdreg $0xFFFFFFFF  }
0xa7: {  	s28 =	simm.s32 $_size_execute0_lowered;
	s2 =	sadd.s32 s2, s4;
	[dreg:$0x0] =	wrdreg $0x0  }
0xa8: {  	s4 =	sshll.u32 s28, $0x1;
	[dreg:$0x2] =	wrdreg s2  }
0xa9: {  	[dreg:$0x3] =	wrdreg s4  }
0xaa: {  	[dreg:$0x4] =	wrdreg $0xC0  }
0xab: {  	_ =	task [dreg:s6], $0x5FFFF  }
0xac: {  	[dreg:$0x1] =	wrdreg $0xFFFFFFFF  }
0xad: {  	[dreg:$0x0] =	wrdreg $0x60  }
0xae: {  	[dreg:$0x2] =	wrdreg s24  }
0xaf: {  	[dreg:$0x3] =	wrdreg $0x9  }
0xb0: {  	_ =	task.clear_ibuf [dreg:s6], $0x4FFFF;
	_ =	strace $0x90000046  }
0xb1: {  	s29 =	simm.s32 $0x9;
	_ =	strace $0x80000048  }
0xb2: {  	_ =	swait.ge [sflag:s29], $0x1  }
0xb3: {  	[sflag:s29] =	ssyncadd.s32 $0xFFFFFFFF  }
0xb4: {  	_ =	strace $0x90000048  }
0xb5: {  	_ =	sfence  }
0xb6: {  	s30 =	sld [smem:$0x0];
	_ =	sdelay $0x2  }
0xb7: {  	s31 =	sshll.u32 s1, $0xD;
	s1 =	sshrl.u32 s1, $0x2  }
0xb8: {  	s3 =	sand.u32 $0x4000, s31;
	s1 =	sadd.s32 s1, s30  }
0xb9: {  	s0 =	sor.u32 s3, s0;
	s1 =	sshll.u32 s1, $0x11  }
0xba: {  	s0 =	sor.u32 s1, s0  }
0xbb: {  	s0 =	sadd.s32 $0x8F2B, s0  }
0xbc: {  	[sflag:s0] =	ssyncadd.remote.s32 $0x1  }
0xbd: {  	_ =	sfence.sel $0xFFFF  }
0xbe: {  	[dreg:$0x0] =	wrdreg $0xFFFFFFFF;
	(pc) =	sbr.abs _section_cstart, $3  }
0xbf: {  	[dreg:$0x1] =	wrdreg $0xFFFFFFFF  }
0xc0: {  	_ =	task.clear_ibuf [dreg:s6], $0x2FFFF;
	_ =	strace $0x9FFFFFFF  }
0xc1: {  	(tm) =	ssettm $0x7FFFFFFF  }
tec
execute0_lowered:
.L_overlay_start_1:
0x0: {  	(tag) =	ssettag $0x1  }
0x1: {  	s1 =	srdreg.scid  }
0x2: {  	s0 =	stileid.u32;
	s4 =	rddreg [dreg:$0x0]  }
0x3: {  	s2 =	simm.s32 $0x0;
	s7 =	simm.s32 $0x3;
	s8 =	simm.s32 $0x80  }
0x4: {  	s9 =	simm.s32 $0xD00;
	s10 =	simm.s32 $0x1D00;
	s11 =	simm.s32 $0x1  }
0x5: {  	s12 =	simm.s32 $0x2;
	s3 =	sand.u32 $0x1, s1;
	s5 =	sshll.u32 s0, $0x1  }
0x6: {  	s13 =	simm.s32 $0x2D00;
	s14 =	simm.s32 $0x0;
	s5 =	sor.u32 s3, s5  }
0x7: {  	[smem:$0x7FF] =	sst s2;
	s6 =	ssub.s32 $0x2, s3;
	s5 =	smul.u32 $0x1A0, s5  }
0x8: {  	s1 =	rddreg [dreg:$0x1];
	_ =	strace $0x80000047;
	s31 =	sshrl.u32 s6, $0x1  }
0x9: {  	v0 =	vlaneseq.u32;
	s3 =	sadd.s32 $0x27ADE00, s4;
	s6 =	ssub.s32 s6, s31;
	s5 =	sadd.s32 s5, s4  }
0xa: {  	v0 =	vmul.u32 $0x20, v0;
	s6 =	smax.u32 s6, $0x1;
	s4 =	sadd.s32 $0x1A00, s5;
	s5 =	sadd.s32 $0x4E00, s5  }
.LBB2_1:
0xb: {  	[tilespmem:s2], [sflag:$0x3] =	stream.linear.gather [hbm4b:s4+s2], $0xD00, $0x38;
	[tilespmem:$0x3A00] =	vst v63  }
0xc: {  	_ =	swait.ge [sflag:s7], $0xD00  }
0xd: {  	s15 =	simm.s32 $0x2D80;
	[sflag:s7] =	ssyncset.done $0x0  }
0xe: {  	s16 =	simm.s32 $0x2D00;
	s17 =	simm.s32 $0x0;
	[sflag:s7] =	ssyncadd.s32 $0xFFFFF300  }
0xf: {  	[tilespmem:s9], [sflag:$0x1] =	stream.indirect.gather [hbm4b:s3+s8], $0x20, s2, s8, $0xb8;
	[tilespmem:$0x3A00] =	vst v63  }
.LBB2_2:
0x10: {  	s18 =	simm.s32 $0x0  }
0x11: {  	v1 =	vmov s18  }
0x12: {  	s30 =	sshll.u32 s17, $0x8;
	v1 =	vshll.u32 v1, $0x5  }
0x13: {  	s18 =	sor.u32 $0x80, s30;
	v1 =	vor.u32 v0, v1  }
0x14: {  	[tilespmem:s10], [sflag:$0x2] =	stream.indirect.gather [hbm4b:s3+s8], $0x20, s18, s8, $0xb8;
	[tilespmem:$0x3A00] =	vst v63  }
0x15: {  	_ =	swait.ge [sflag:s11], $0x1000;
	v2 =	vor.u32 $0x1, v1  }
0x16: {  	[sflag:s11] =	ssyncset.done $0x0  }
0x17: {  	v3 =	vor.u32 $0x2, v1;
	[sflag:s11] =	ssyncadd.s32 $0xFFFFF000  }
0x18: {  	v4 =	vld.idx.msk [tilespmem:v1+s9+$0x0], $0xffff  }
0x19: {  	v5 =	vor.u32 $0x3, v1  }
0x1a: {  	v2 =	vld.idx.msk [tilespmem:v2+s9+$0x0], $0xffff  }
0x1b: {  	v6 =	vor.u32 $0x4, v1  }
0x1c: {  	v3 =	vld.idx.msk [tilespmem:v3+s9+$0x0], $0xffff  }
0x1d: {  	v7 =	vor.u32 $0x5, v1;
	v8 =	vadd.f32 $0.0e+00, v4  }
0x1e: {  	v9 =	vor.u32 $0x6, v1;
	v5 =	vld.idx.msk [tilespmem:v5+s9+$0x0], $0xffff  }
0x1f: {  	v4 =	vmul.f32 v4, v4;
	v8 =	vadd.f32 v2, v8;
	v2 =	vmul.f32 v2, v2  }
0x20: {  	v10 =	vor.u32 $0x7, v1;
	v6 =	vld.idx.msk [tilespmem:v6+s9+$0x0], $0xffff  }
0x21: {  	v2 =	vadd.f32 v2, v4;
	v4 =	vadd.f32 v3, v8;
	v3 =	vmul.f32 v3, v3  }
0x22: {  	v33 =	vor.u32 $0x8, v1;
	v7 =	vld.idx.msk [tilespmem:v7+s9+$0x0], $0xffff  }
0x23: {  	v2 =	vadd.f32 v3, v2;
	v3 =	vadd.f32 v5, v4;
	v4 =	vmul.f32 v5, v5  }
0x24: {  	v34 =	vor.u32 $0x9, v1;
	v5 =	vld.idx.msk [tilespmem:v9+s9+$0x0], $0xffff  }
0x25: {  	v2 =	vadd.f32 v4, v2;
	v3 =	vadd.f32 v6, v3;
	v4 =	vmul.f32 v6, v6  }
0x26: {  	v36 =	vor.u32 $0xA, v1;
	v35 =	vld.idx.msk [tilespmem:v10+s9+$0x0], $0xffff  }
0x27: {  	v2 =	vadd.f32 v4, v2;
	v3 =	vadd.f32 v7, v3;
	v4 =	vmul.f32 v7, v7  }
0x28: {  	v38 =	vor.u32 $0xB, v1;
	v37 =	vld.idx.msk [tilespmem:v33+s9+$0x0], $0xffff  }
0x29: {  	v2 =	vadd.f32 v4, v2;
	v3 =	vadd.f32 v5, v3;
	v4 =	vmul.f32 v5, v5  }
0x2a: {  	v39 =	vor.u32 $0xC, v1;
	v5 =	vld.idx.msk [tilespmem:v34+s9+$0x0], $0xffff  }
0x2b: {  	v2 =	vadd.f32 v4, v2;
	v3 =	vadd.f32 v35, v3;
	v4 =	vmul.f32 v35, v35  }
0x2c: {  	v41 =	vor.u32 $0xD, v1;
	v40 =	vld.idx.msk [tilespmem:v36+s9+$0x0], $0xffff  }
0x2d: {  	v2 =	vadd.f32 v4, v2;
	v3 =	vadd.f32 v37, v3;
	v4 =	vmul.f32 v37, v37  }
0x2e: {  	v43 =	vor.u32 $0xE, v1;
	v42 =	vld.idx.msk [tilespmem:v38+s9+$0x0], $0xffff  }
0x2f: {  	v2 =	vadd.f32 v4, v2;
	v3 =	vadd.f32 v5, v3;
	v4 =	vmul.f32 v5, v5  }
0x30: {  	v44 =	vor.u32 $0xF, v1;
	v5 =	vld.idx.msk [tilespmem:v39+s9+$0x0], $0xffff  }
0x31: {  	v2 =	vadd.f32 v4, v2;
	v3 =	vadd.f32 v40, v3;
	v4 =	vmul.f32 v40, v40  }
0x32: {  	v46 =	vor.u32 $0x10, v1;
	v45 =	vld.idx.msk [tilespmem:v41+s9+$0x0], $0xffff  }
0x33: {  	v2 =	vadd.f32 v4, v2;
	v3 =	vadd.f32 v42, v3;
	v4 =	vmul.f32 v42, v42  }
0x34: {  	v48 =	vor.u32 $0x11, v1;
	v47 =	vld.idx.msk [tilespmem:v43+s9+$0x0], $0xffff  }
0x35: {  	v2 =	vadd.f32 v4, v2;
	v3 =	vadd.f32 v5, v3;
	v4 =	vmul.f32 v5, v5  }
0x36: {  	v49 =	vor.u32 $0x12, v1;
	v5 =	vld.idx.msk [tilespmem:v44+s9+$0x0], $0xffff  }
0x37: {  	v2 =	vadd.f32 v4, v2;
	v3 =	vadd.f32 v45, v3;
	v4 =	vmul.f32 v45, v45  }
0x38: {  	v51 =	vor.u32 $0x13, v1;
	v50 =	vld.idx.msk [tilespmem:v46+s9+$0x0], $0xffff  }
0x39: {  	v2 =	vadd.f32 v4, v2;
	v3 =	vadd.f32 v47, v3;
	v4 =	vmul.f32 v47, v47  }
0x3a: {  	v53 =	vor.u32 $0x14, v1;
	v52 =	vld.idx.msk [tilespmem:v48+s9+$0x0], $0xffff  }
0x3b: {  	v2 =	vadd.f32 v4, v2;
	v3 =	vadd.f32 v5, v3;
	v4 =	vmul.f32 v5, v5  }
0x3c: {  	v54 =	vor.u32 $0x15, v1;
	v5 =	vld.idx.msk [tilespmem:v49+s9+$0x0], $0xffff  }
0x3d: {  	v2 =	vadd.f32 v4, v2;
	v3 =	vadd.f32 v50, v3;
	v4 =	vmul.f32 v50, v50  }
0x3e: {  	v56 =	vor.u32 $0x16, v1;
	v55 =	vld.idx.msk [tilespmem:v51+s9+$0x0], $0xffff  }
0x3f: {  	v2 =	vadd.f32 v4, v2;
	v3 =	vadd.f32 v52, v3;
	v4 =	vmul.f32 v52, v52  }
0x40: {  	v58 =	vor.u32 $0x17, v1;
	v57 =	vld.idx.msk [tilespmem:v53+s9+$0x0], $0xffff  }
0x41: {  	v2 =	vadd.f32 v4, v2;
	v3 =	vadd.f32 v5, v3;
	v4 =	vmul.f32 v5, v5  }
0x42: {  	v59 =	vor.u32 $0x18, v1;
	v5 =	vld.idx.msk [tilespmem:v54+s9+$0x0], $0xffff  }
0x43: {  	v2 =	vadd.f32 v4, v2;
	v3 =	vadd.f32 v55, v3;
	v4 =	vmul.f32 v55, v55  }
0x44: {  	v61 =	vor.u32 $0x19, v1;
	v60 =	vld.idx.msk [tilespmem:v56+s9+$0x0], $0xffff  }
0x45: {  	v2 =	vadd.f32 v4, v2;
	v3 =	vadd.f32 v57, v3;
	v4 =	vmul.f32 v57, v57  }
0x46: {  	v63 =	vor.u32 $0x1A, v1;
	v62 =	vld.idx.msk [tilespmem:v58+s9+$0x0], $0xffff  }
0x47: {  	v2 =	vadd.f32 v4, v2;
	v3 =	vadd.f32 v5, v3;
	v4 =	vmul.f32 v5, v5  }
0x48: {  	v12 =	vor.u32 $0x1B, v1;
	v5 =	vld.idx.msk [tilespmem:v59+s9+$0x0], $0xffff  }
0x49: {  	v2 =	vadd.f32 v4, v2;
	v3 =	vadd.f32 v60, v3;
	v4 =	vmul.f32 v60, v60  }
0x4a: {  	v14 =	vor.u32 $0x1C, v1;
	v13 =	vld.idx.msk [tilespmem:v61+s9+$0x0], $0xffff  }
0x4b: {  	v2 =	vadd.f32 v4, v2;
	v3 =	vadd.f32 v62, v3;
	v4 =	vmul.f32 v62, v62  }
0x4c: {  	v16 =	vor.u32 $0x1D, v1;
	v15 =	vld.idx.msk [tilespmem:v63+s9+$0x0], $0xffff  }
0x4d: {  	v2 =	vadd.f32 v4, v2;
	v3 =	vadd.f32 v5, v3;
	v4 =	vmul.f32 v5, v5  }
0x4e: {  	v17 =	vor.u32 $0x1E, v1;
	v5 =	vld.idx.msk [tilespmem:v12+s9+$0x0], $0xffff  }
0x4f: {  	v2 =	vadd.f32 v4, v2;
	v3 =	vadd.f32 v13, v3;
	v4 =	vmul.f32 v13, v13  }
0x50: {  	v1 =	vor.u32 $0x1F, v1;
	v18 =	vld.idx.msk [tilespmem:v14+s9+$0x0], $0xffff  }
0x51: {  	v2 =	vadd.f32 v4, v2;
	v3 =	vadd.f32 v15, v3;
	v4 =	vmul.f32 v15, v15  }
0x52: {  	v19 =	vld.idx.msk [tilespmem:v16+s9+$0x0], $0xffff  }
0x53: {  	v2 =	vadd.f32 v4, v2;
	v3 =	vadd.f32 v5, v3;
	v4 =	vmul.f32 v5, v5  }
0x54: {  	v5 =	vld.idx.msk [tilespmem:v17+s9+$0x0], $0xffff  }
0x55: {  	v2 =	vadd.f32 v4, v2;
	v3 =	vadd.f32 v18, v3;
	v4 =	vmul.f32 v18, v18  }
0x56: {  	v1 =	vld.idx.msk [tilespmem:v1+s9+$0x0], $0xffff  }
0x57: {  	v2 =	vadd.f32 v4, v2;
	v3 =	vadd.f32 v19, v3;
	v4 =	vmul.f32 v19, v19;
	_ =	sdelay $0x1  }
0x58: {  	v2 =	vadd.f32 v4, v2;
	v3 =	vadd.f32 v5, v3;
	v4 =	vmul.f32 v5, v5;
	_ =	sdelay $0x1  }
0x59: {  	v2 =	vadd.f32 v4, v2;
	v3 =	vadd.f32 v1, v3;
	v1 =	vmul.f32 v1, v1  }
0x5a: {  	s31 =	simm.s32 $0x10  }
0x5b: {  	v4 =	vmov s31;
	v2 =	vadd.f32 v1, v2;
	v3 =	vmul.f32 v3, v3  }
0x5c: {  	v1 =	vshll.u32 v4, $0x5  }
0x5d: {  	v1 =	vor.u32 v0, v1;
	v2 =	vsub.f32 v3, v2;
	_ =	sdelay $0x1  }
0x5e: {  	v3 =	vor.u32 $0x1, v1;
	v2 =	vmul.f32 $5.000000000e-01, v2;
	_ =	sdelay $0x1  }
0x5f: {  	v4 =	vor.u32 $0x2, v1;
	[tilespmem:s16+$0x0] =	vst v2  }
0x60: {  	v2 =	vld.idx.msk [tilespmem:v1+s9+$0x0], $0xffff  }
0x61: {  	v5 =	vor.u32 $0x3, v1  }
0x62: {  	v3 =	vld.idx.msk [tilespmem:v3+s9+$0x0], $0xffff  }
0x63: {  	v20 =	vor.u32 $0x4, v1  }
0x64: {  	v4 =	vld.idx.msk [tilespmem:v4+s9+$0x0], $0xffff  }
0x65: {  	v21 =	vor.u32 $0x5, v1;
	v22 =	vadd.f32 $0.0e+00, v2  }
0x66: {  	v23 =	vor.u32 $0x6, v1;
	v5 =	vld.idx.msk [tilespmem:v5+s9+$0x0], $0xffff  }
0x67: {  	v2 =	vmul.f32 v2, v2;
	v8 =	vadd.f32 v3, v22;
	v3 =	vmul.f32 v3, v3  }
0x68: {  	v24 =	vor.u32 $0x7, v1;
	v6 =	vld.idx.msk [tilespmem:v20+s9+$0x0], $0xffff  }
0x69: {  	v2 =	vadd.f32 v3, v2;
	v3 =	vadd.f32 v4, v8;
	v4 =	vmul.f32 v4, v4  }
0x6a: {  	v25 =	vor.u32 $0x8, v1;
	v7 =	vld.idx.msk [tilespmem:v21+s9+$0x0], $0xffff  }
0x6b: {  	v2 =	vadd.f32 v4, v2;
	v3 =	vadd.f32 v5, v3;
	v4 =	vmul.f32 v5, v5  }
0x6c: {  	v26 =	vor.u32 $0x9, v1;
	v5 =	vld.idx.msk [tilespmem:v23+s9+$0x0], $0xffff  }
0x6d: {  	v2 =	vadd.f32 v4, v2;
	v3 =	vadd.f32 v6, v3;
	v4 =	vmul.f32 v6, v6  }
0x6e: {  	v28 =	vor.u32 $0xA, v1;
	v27 =	vld.idx.msk [tilespmem:v24+s9+$0x0], $0xffff  }
0x6f: {  	v2 =	vadd.f32 v4, v2;
	v3 =	vadd.f32 v7, v3;
	v4 =	vmul.f32 v7, v7  }
0x70: {  	v30 =	vor.u32 $0xB, v1;
	v29 =	vld.idx.msk [tilespmem:v25+s9+$0x0], $0xffff  }
0x71: {  	v2 =	vadd.f32 v4, v2;
	v3 =	vadd.f32 v5, v3;
	v4 =	vmul.f32 v5, v5  }
0x72: {  	v31 =	vor.u32 $0xC, v1;
	v5 =	vld.idx.msk [tilespmem:v26+s9+$0x0], $0xffff  }
0x73: {  	v2 =	vadd.f32 v4, v2;
	v3 =	vadd.f32 v27, v3;
	v4 =	vmul.f32 v27, v27  }
0x74: {  	v33 =	vor.u32 $0xD, v1;
	v32 =	vld.idx.msk [tilespmem:v28+s9+$0x0], $0xffff  }
0x75: {  	v2 =	vadd.f32 v4, v2;
	v3 =	vadd.f32 v29, v3;
	v4 =	vmul.f32 v29, v29  }
0x76: {  	v35 =	vor.u32 $0xE, v1;
	v34 =	vld.idx.msk [tilespmem:v30+s9+$0x0], $0xffff  }
0x77: {  	v2 =	vadd.f32 v4, v2;
	v3 =	vadd.f32 v5, v3;
	v4 =	vmul.f32 v5, v5  }
0x78: {  	v36 =	vor.u32 $0xF, v1;
	v5 =	vld.idx.msk [tilespmem:v31+s9+$0x0], $0xffff  }
0x79: {  	v2 =	vadd.f32 v4, v2;
	v3 =	vadd.f32 v32, v3;
	v4 =	vmul.f32 v32, v32  }
0x7a: {  	v38 =	vor.u32 $0x10, v1;
	v37 =	vld.idx.msk [tilespmem:v33+s9+$0x0], $0xffff  }
0x7b: {  	v2 =	vadd.f32 v4, v2;
	v3 =	vadd.f32 v34, v3;
	v4 =	vmul.f32 v34, v34  }
0x7c: {  	v40 =	vor.u32 $0x11, v1;
	v39 =	vld.idx.msk [tilespmem:v35+s9+$0x0], $0xffff  }
0x7d: {  	v2 =	vadd.f32 v4, v2;
	v3 =	vadd.f32 v5, v3;
	v4 =	vmul.f32 v5, v5  }
0x7e: {  	v41 =	vor.u32 $0x12, v1;
	v5 =	vld.idx.msk [tilespmem:v36+s9+$0x0], $0xffff  }
0x7f: {  	v2 =	vadd.f32 v4, v2;
	v3 =	vadd.f32 v37, v3;
	v4 =	vmul.f32 v37, v37  }
0x80: {  	v43 =	vor.u32 $0x13, v1;
	v42 =	vld.idx.msk [tilespmem:v38+s9+$0x0], $0xffff  }
0x81: {  	v2 =	vadd.f32 v4, v2;
	v3 =	vadd.f32 v39, v3;
	v4 =	vmul.f32 v39, v39  }
0x82: {  	v45 =	vor.u32 $0x14, v1;
	v44 =	vld.idx.msk [tilespmem:v40+s9+$0x0], $0xffff  }
0x83: {  	v2 =	vadd.f32 v4, v2;
	v3 =	vadd.f32 v5, v3;
	v4 =	vmul.f32 v5, v5  }
0x84: {  	v46 =	vor.u32 $0x15, v1;
	v5 =	vld.idx.msk [tilespmem:v41+s9+$0x0], $0xffff  }
0x85: {  	v2 =	vadd.f32 v4, v2;
	v3 =	vadd.f32 v42, v3;
	v4 =	vmul.f32 v42, v42  }
0x86: {  	v48 =	vor.u32 $0x16, v1;
	v47 =	vld.idx.msk [tilespmem:v43+s9+$0x0], $0xffff  }
0x87: {  	v2 =	vadd.f32 v4, v2;
	v3 =	vadd.f32 v44, v3;
	v4 =	vmul.f32 v44, v44  }
0x88: {  	v50 =	vor.u32 $0x17, v1;
	v49 =	vld.idx.msk [tilespmem:v45+s9+$0x0], $0xffff  }
0x89: {  	v2 =	vadd.f32 v4, v2;
	v3 =	vadd.f32 v5, v3;
	v4 =	vmul.f32 v5, v5  }
0x8a: {  	v51 =	vor.u32 $0x18, v1;
	v5 =	vld.idx.msk [tilespmem:v46+s9+$0x0], $0xffff  }
0x8b: {  	v2 =	vadd.f32 v4, v2;
	v3 =	vadd.f32 v47, v3;
	v4 =	vmul.f32 v47, v47  }
0x8c: {  	v53 =	vor.u32 $0x19, v1;
	v52 =	vld.idx.msk [tilespmem:v48+s9+$0x0], $0xffff  }
0x8d: {  	v2 =	vadd.f32 v4, v2;
	v3 =	vadd.f32 v49, v3;
	v4 =	vmul.f32 v49, v49  }
0x8e: {  	v55 =	vor.u32 $0x1A, v1;
	v54 =	vld.idx.msk [tilespmem:v50+s9+$0x0], $0xffff  }
0x8f: {  	v2 =	vadd.f32 v4, v2;
	v3 =	vadd.f32 v5, v3;
	v4 =	vmul.f32 v5, v5  }
0x90: {  	v56 =	vor.u32 $0x1B, v1;
	v5 =	vld.idx.msk [tilespmem:v51+s9+$0x0], $0xffff  }
0x91: {  	v2 =	vadd.f32 v4, v2;
	v3 =	vadd.f32 v52, v3;
	v4 =	vmul.f32 v52, v52  }
0x92: {  	v58 =	vor.u32 $0x1C, v1;
	v57 =	vld.idx.msk [tilespmem:v53+s9+$0x0], $0xffff  }
0x93: {  	v2 =	vadd.f32 v4, v2;
	v3 =	vadd.f32 v54, v3;
	v4 =	vmul.f32 v54, v54  }
0x94: {  	v60 =	vor.u32 $0x1D, v1;
	v59 =	vld.idx.msk [tilespmem:v55+s9+$0x0], $0xffff  }
0x95: {  	v2 =	vadd.f32 v4, v2;
	v3 =	vadd.f32 v5, v3;
	v4 =	vmul.f32 v5, v5  }
0x96: {  	v61 =	vor.u32 $0x1E, v1;
	v5 =	vld.idx.msk [tilespmem:v56+s9+$0x0], $0xffff  }
0x97: {  	v2 =	vadd.f32 v4, v2;
	v3 =	vadd.f32 v57, v3;
	v4 =	vmul.f32 v57, v57  }
0x98: {  	v62 =	vld.idx.msk [tilespmem:v58+s9+$0x0], $0xffff;
	v1 =	vor.u32 $0x1F, v1  }
0x99: {  	v2 =	vadd.f32 v4, v2;
	v3 =	vadd.f32 v59, v3;
	v4 =	vmul.f32 v59, v59  }
0x9a: {  	v63 =	vld.idx.msk [tilespmem:v60+s9+$0x0], $0xffff  }
0x9b: {  	v2 =	vadd.f32 v4, v2;
	v3 =	vadd.f32 v5, v3;
	v4 =	vmul.f32 v5, v5  }
0x9c: {  	v5 =	vld.idx.msk [tilespmem:v61+s9+$0x0], $0xffff  }
0x9d: {  	v2 =	vadd.f32 v4, v2;
	v3 =	vadd.f32 v62, v3;
	v4 =	vmul.f32 v62, v62  }
0x9e: {  	v1 =	vld.idx.msk [tilespmem:v1+s9+$0x0], $0xffff  }
0x9f: {  	v2 =	vadd.f32 v4, v2;
	v3 =	vadd.f32 v63, v3;
	v4 =	vmul.f32 v63, v63;
	_ =	sdelay $0x1  }
0xa0: {  	v2 =	vadd.f32 v4, v2;
	v3 =	vadd.f32 v5, v3;
	v4 =	vmul.f32 v5, v5;
	_ =	sdelay $0x1  }
0xa1: {  	v2 =	vadd.f32 v4, v2;
	v3 =	vadd.f32 v1, v3;
	v4 =	vmul.f32 v1, v1  }
0xa2: {  	s19 =	simm.s32 $0x20  }
0xa3: {  	s20 =	simm.s32 $0x30;
	s18 =	sshll.u32 s17, $0xA;
	v1 =	vmov s19;
	s19 =	smov.u32 s16;
	v2 =	vadd.f32 v4, v2;
	v3 =	vmul.f32 v3, v3  }
.LBB2_3:
0xa4: {  	p0 =	sne.s32 s20, $0x70;
	v1 =	vshll.u32 v1, $0x5  }
0xa5: {  	v1 =	vor.u32 v0, v1;
	v2 =	vsub.f32 v3, v2;
	_ =	sdelay $0x1  }
0xa6: {  	v3 =	vor.u32 $0x1, v1;
	v2 =	vmul.f32 $5.000000000e-01, v2  }
0xa7: {  	s19 =	sadd.s32 $0x10, s19  }
0xa8: {  	v4 =	vor.u32 $0x2, v1;
	[tilespmem:s19+$0x0] =	vst v2  }
0xa9: {  	v2 =	vld.idx.msk [tilespmem:v1+s9+$0x0], $0xffff  }
0xaa: {  	v5 =	vor.u32 $0x3, v1  }
0xab: {  	v3 =	vld.idx.msk [tilespmem:v3+s9+$0x0], $0xffff  }
0xac: {  	v6 =	vor.u32 $0x4, v1  }
0xad: {  	v4 =	vld.idx.msk [tilespmem:v4+s9+$0x0], $0xffff  }
0xae: {  	v7 =	vor.u32 $0x5, v1  }
0xaf: {  	v8 =	vadd.f32 $0.0e+00, v2;
	v5 =	vld.idx.msk [tilespmem:v5+s9+$0x0], $0xffff  }
0xb0: {  	v9 =	vor.u32 $0x6, v1  }
0xb1: {  	v2 =	vmul.f32 v2, v2;
	v8 =	vadd.f32 v3, v8;
	v3 =	vmul.f32 v3, v3;
	v6 =	vld.idx.msk [tilespmem:v6+s9+$0x0], $0xffff  }
0xb2: {  	v10 =	vor.u32 $0x7, v1  }
0xb3: {  	v2 =	vadd.f32 v3, v2;
	v3 =	vadd.f32 v4, v8;
	v4 =	vmul.f32 v4, v4;
	v7 =	vld.idx.msk [tilespmem:v7+s9+$0x0], $0xffff  }
0xb4: {  	v8 =	vor.u32 $0x8, v1  }
0xb5: {  	v2 =	vadd.f32 v4, v2;
	v3 =	vadd.f32 v5, v3;
	v4 =	vmul.f32 v5, v5;
	v5 =	vld.idx.msk [tilespmem:v9+s9+$0x0], $0xffff  }
0xb6: {  	v9 =	vor.u32 $0x9, v1  }
0xb7: {  	v2 =	vadd.f32 v4, v2;
	v3 =	vadd.f32 v6, v3;
	v4 =	vmul.f32 v6, v6;
	v6 =	vld.idx.msk [tilespmem:v10+s9+$0x0], $0xffff  }
0xb8: {  	v10 =	vor.u32 $0xA, v1  }
0xb9: {  	v2 =	vadd.f32 v4, v2;
	v3 =	vadd.f32 v7, v3;
	v4 =	vmul.f32 v7, v7;
	v7 =	vld.idx.msk [tilespmem:v8+s9+$0x0], $0xffff  }
0xba: {  	v8 =	vor.u32 $0xB, v1  }
0xbb: {  	v2 =	vadd.f32 v4, v2;
	v3 =	vadd.f32 v5, v3;
	v4 =	vmul.f32 v5, v5;
	v5 =	vld.idx.msk [tilespmem:v9+s9+$0x0], $0xffff  }
0xbc: {  	v9 =	vor.u32 $0xC, v1  }
0xbd: {  	v2 =	vadd.f32 v4, v2;
	v3 =	vadd.f32 v6, v3;
	v4 =	vmul.f32 v6, v6;
	v6 =	vld.idx.msk [tilespmem:v10+s9+$0x0], $0xffff  }
0xbe: {  	v10 =	vor.u32 $0xD, v1  }
0xbf: {  	v2 =	vadd.f32 v4, v2;
	v3 =	vadd.f32 v7, v3;
	v4 =	vmul.f32 v7, v7;
	v7 =	vld.idx.msk [tilespmem:v8+s9+$0x0], $0xffff  }
0xc0: {  	v8 =	vor.u32 $0xE, v1  }
0xc1: {  	v2 =	vadd.f32 v4, v2;
	v3 =	vadd.f32 v5, v3;
	v4 =	vmul.f32 v5, v5;
	v5 =	vld.idx.msk [tilespmem:v9+s9+$0x0], $0xffff  }
0xc2: {  	v9 =	vor.u32 $0xF, v1  }
0xc3: {  	v2 =	vadd.f32 v4, v2;
	v3 =	vadd.f32 v6, v3;
	v4 =	vmul.f32 v6, v6;
	v6 =	vld.idx.msk [tilespmem:v10+s9+$0x0], $0xffff  }
0xc4: {  	v10 =	vor.u32 $0x10, v1  }
0xc5: {  	v2 =	vadd.f32 v4, v2;
	v3 =	vadd.f32 v7, v3;
	v4 =	vmul.f32 v7, v7;
	v7 =	vld.idx.msk [tilespmem:v8+s9+$0x0], $0xffff  }
0xc6: {  	v8 =	vor.u32 $0x11, v1  }
0xc7: {  	v2 =	vadd.f32 v4, v2;
	v3 =	vadd.f32 v5, v3;
	v4 =	vmul.f32 v5, v5;
	v5 =	vld.idx.msk [tilespmem:v9+s9+$0x0], $0xffff  }
0xc8: {  	v9 =	vor.u32 $0x12, v1  }
0xc9: {  	v2 =	vadd.f32 v4, v2;
	v3 =	vadd.f32 v6, v3;
	v4 =	vmul.f32 v6, v6;
	v6 =	vld.idx.msk [tilespmem:v10+s9+$0x0], $0xffff  }
0xca: {  	v10 =	vor.u32 $0x13, v1  }
0xcb: {  	v2 =	vadd.f32 v4, v2;
	v3 =	vadd.f32 v7, v3;
	v4 =	vmul.f32 v7, v7;
	v7 =	vld.idx.msk [tilespmem:v8+s9+$0x0], $0xffff  }
0xcc: {  	v8 =	vor.u32 $0x14, v1  }
0xcd: {  	v2 =	vadd.f32 v4, v2;
	v3 =	vadd.f32 v5, v3;
	v4 =	vmul.f32 v5, v5;
	v5 =	vld.idx.msk [tilespmem:v9+s9+$0x0], $0xffff  }
0xce: {  	v9 =	vor.u32 $0x15, v1  }
0xcf: {  	v2 =	vadd.f32 v4, v2;
	v3 =	vadd.f32 v6, v3;
	v4 =	vmul.f32 v6, v6;
	v6 =	vld.idx.msk [tilespmem:v10+s9+$0x0], $0xffff  }
0xd0: {  	v10 =	vor.u32 $0x16, v1  }
0xd1: {  	v2 =	vadd.f32 v4, v2;
	v3 =	vadd.f32 v7, v3;
	v4 =	vmul.f32 v7, v7;
	v7 =	vld.idx.msk [tilespmem:v8+s9+$0x0], $0xffff  }
0xd2: {  	v8 =	vor.u32 $0x17, v1  }
0xd3: {  	v2 =	vadd.f32 v4, v2;
	v3 =	vadd.f32 v5, v3;
	v4 =	vmul.f32 v5, v5;
	v5 =	vld.idx.msk [tilespmem:v9+s9+$0x0], $0xffff  }
0xd4: {  	v9 =	vor.u32 $0x18, v1  }
0xd5: {  	v2 =	vadd.f32 v4, v2;
	v3 =	vadd.f32 v6, v3;
	v4 =	vmul.f32 v6, v6;
	v6 =	vld.idx.msk [tilespmem:v10+s9+$0x0], $0xffff  }
0xd6: {  	v10 =	vor.u32 $0x19, v1  }
0xd7: {  	v2 =	vadd.f32 v4, v2;
	v3 =	vadd.f32 v7, v3;
	v4 =	vmul.f32 v7, v7;
	v7 =	vld.idx.msk [tilespmem:v8+s9+$0x0], $0xffff  }
0xd8: {  	v8 =	vor.u32 $0x1A, v1  }
0xd9: {  	v2 =	vadd.f32 v4, v2;
	v3 =	vadd.f32 v5, v3;
	v4 =	vmul.f32 v5, v5;
	v5 =	vld.idx.msk [tilespmem:v9+s9+$0x0], $0xffff  }
0xda: {  	v9 =	vor.u32 $0x1B, v1  }
0xdb: {  	v2 =	vadd.f32 v4, v2;
	v3 =	vadd.f32 v6, v3;
	v4 =	vmul.f32 v6, v6;
	v6 =	vld.idx.msk [tilespmem:v10+s9+$0x0], $0xffff  }
0xdc: {  	v10 =	vor.u32 $0x1C, v1  }
0xdd: {  	v2 =	vadd.f32 v4, v2;
	v3 =	vadd.f32 v7, v3;
	v4 =	vmul.f32 v7, v7;
	v7 =	vld.idx.msk [tilespmem:v8+s9+$0x0], $0xffff  }
0xde: {  	v8 =	vor.u32 $0x1D, v1  }
0xdf: {  	v2 =	vadd.f32 v4, v2;
	v3 =	vadd.f32 v5, v3;
	v4 =	vmul.f32 v5, v5;
	v5 =	vld.idx.msk [tilespmem:v9+s9+$0x0], $0xffff  }
0xe0: {  	v9 =	vor.u32 $0x1E, v1  }
0xe1: {  	v2 =	vadd.f32 v4, v2;
	v3 =	vadd.f32 v6, v3;
	v4 =	vmul.f32 v6, v6;
	v6 =	vld.idx.msk [tilespmem:v10+s9+$0x0], $0xffff  }
0xe2: {  	v1 =	vor.u32 $0x1F, v1  }
0xe3: {  	v2 =	vadd.f32 v4, v2;
	v3 =	vadd.f32 v7, v3;
	v4 =	vmul.f32 v7, v7;
	v7 =	vld.idx.msk [tilespmem:v8+s9+$0x0], $0xffff;
	_ =	sdelay $0x1  }
0xe4: {  	v2 =	vadd.f32 v4, v2;
	v3 =	vadd.f32 v5, v3;
	v4 =	vmul.f32 v5, v5;
	v5 =	vld.idx.msk [tilespmem:v9+s9+$0x0], $0xffff;
	_ =	sdelay $0x1  }
0xe5: {  	v2 =	vadd.f32 v4, v2;
	v3 =	vadd.f32 v6, v3;
	v4 =	vmul.f32 v6, v6;
	v1 =	vld.idx.msk [tilespmem:v1+s9+$0x0], $0xffff;
	_ =	sdelay $0x1  }
0xe6: {  	v2 =	vadd.f32 v4, v2;
	v3 =	vadd.f32 v7, v3;
	v4 =	vmul.f32 v7, v7;
	_ =	sdelay $0x1  }
.Ltmp0:
0xe7: {  	v2 =	vadd.f32 v4, v2;
	v3 =	vadd.f32 v5, v3;
	v4 =	vmul.f32 v5, v5;
	(pc) =	sbr.rel @p0 .LBB2_3-.Ltmp0, $3  }
0xe8: {  	_ = 	snop  }
0xe9: {  	v2 =	vadd.f32 v4, v2;
	v3 =	vadd.f32 v1, v3;
	v4 =	vmul.f32 v1, v1;
	_ =	sdelay $0x1  }
0xea: {  	v1 =	vmov s20;
	s20 =	sadd.s32 $0x10, s20;
	v2 =	vadd.f32 v4, v2;
	v3 =	vmul.f32 v3, v3  }
0xeb: {  	v1 =	vshll.u32 v1, $0x5  }
0xec: {  	v1 =	vor.u32 v0, v1;
	v2 =	vsub.f32 v3, v2;
	_ =	sdelay $0x1  }
0xed: {  	v3 =	vor.u32 $0x1, v1;
	v2 =	vmul.f32 $5.000000000e-01, v2  }
0xee: {  	s19 =	sadd.s32 $0x10, s19  }
0xef: {  	v4 =	vor.u32 $0x2, v1;
	[tilespmem:s19+$0x0] =	vst v2  }
0xf0: {  	v2 =	vld.idx.msk [tilespmem:v1+s9+$0x0], $0xffff  }
0xf1: {  	v5 =	vor.u32 $0x3, v1  }
0xf2: {  	v3 =	vld.idx.msk [tilespmem:v3+s9+$0x0], $0xffff  }
0xf3: {  	v6 =	vor.u32 $0x4, v1  }
0xf4: {  	v4 =	vld.idx.msk [tilespmem:v4+s9+$0x0], $0xffff  }
0xf5: {  	v7 =	vor.u32 $0x5, v1;
	v8 =	vadd.f32 $0.0e+00, v2  }
0xf6: {  	v9 =	vor.u32 $0x6, v1;
	v5 =	vld.idx.msk [tilespmem:v5+s9+$0x0], $0xffff  }
0xf7: {  	v2 =	vmul.f32 v2, v2;
	v8 =	vadd.f32 v3, v8;
	v3 =	vmul.f32 v3, v3  }
0xf8: {  	v10 =	vor.u32 $0x7, v1;
	v6 =	vld.idx.msk [tilespmem:v6+s9+$0x0], $0xffff  }
0xf9: {  	v2 =	vadd.f32 v3, v2;
	v3 =	vadd.f32 v4, v8;
	v4 =	vmul.f32 v4, v4  }
0xfa: {  	v41 =	vor.u32 $0x8, v1;
	v7 =	vld.idx.msk [tilespmem:v7+s9+$0x0], $0xffff  }
0xfb: {  	v2 =	vadd.f32 v4, v2;
	v3 =	vadd.f32 v5, v3;
	v4 =	vmul.f32 v5, v5  }
0xfc: {  	v42 =	vor.u32 $0x9, v1;
	v5 =	vld.idx.msk [tilespmem:v9+s9+$0x0], $0xffff  }
0xfd: {  	v2 =	vadd.f32 v4, v2;
	v3 =	vadd.f32 v6, v3;
	v4 =	vmul.f32 v6, v6  }
0xfe: {  	v44 =	vor.u32 $0xA, v1;
	v43 =	vld.idx.msk [tilespmem:v10+s9+$0x0], $0xffff  }
0xff: {  	v2 =	vadd.f32 v4, v2;
	v3 =	vadd.f32 v7, v3;
	v4 =	vmul.f32 v7, v7  }
0x100: {  	v46 =	vor.u32 $0xB, v1;
	v45 =	vld.idx.msk [tilespmem:v41+s9+$0x0], $0xffff  }
0x101: {  	v2 =	vadd.f32 v4, v2;
	v3 =	vadd.f32 v5, v3;
	v4 =	vmul.f32 v5, v5  }
0x102: {  	v47 =	vor.u32 $0xC, v1;
	v5 =	vld.idx.msk [tilespmem:v42+s9+$0x0], $0xffff  }
0x103: {  	v2 =	vadd.f32 v4, v2;
	v3 =	vadd.f32 v43, v3;
	v4 =	vmul.f32 v43, v43  }
0x104: {  	v49 =	vor.u32 $0xD, v1;
	v48 =	vld.idx.msk [tilespmem:v44+s9+$0x0], $0xffff  }
0x105: {  	v2 =	vadd.f32 v4, v2;
	v3 =	vadd.f32 v45, v3;
	v4 =	vmul.f32 v45, v45  }
0x106: {  	v51 =	vor.u32 $0xE, v1;
	v50 =	vld.idx.msk [tilespmem:v46+s9+$0x0], $0xffff  }
0x107: {  	v2 =	vadd.f32 v4, v2;
	v3 =	vadd.f32 v5, v3;
	v4 =	vmul.f32 v5, v5  }
0x108: {  	v52 =	vor.u32 $0xF, v1;
	v5 =	vld.idx.msk [tilespmem:v47+s9+$0x0], $0xffff  }
0x109: {  	v2 =	vadd.f32 v4, v2;
	v3 =	vadd.f32 v48, v3;
	v4 =	vmul.f32 v48, v48  }
0x10a: {  	v54 =	vor.u32 $0x10, v1;
	v53 =	vld.idx.msk [tilespmem:v49+s9+$0x0], $0xffff  }
0x10b: {  	v2 =	vadd.f32 v4, v2;
	v3 =	vadd.f32 v50, v3;
	v4 =	vmul.f32 v50, v50  }
0x10c: {  	v56 =	vor.u32 $0x11, v1;
	v55 =	vld.idx.msk [tilespmem:v51+s9+$0x0], $0xffff  }
0x10d: {  	v2 =	vadd.f32 v4, v2;
	v3 =	vadd.f32 v5, v3;
	v4 =	vmul.f32 v5, v5  }
0x10e: {  	v57 =	vor.u32 $0x12, v1;
	v5 =	vld.idx.msk [tilespmem:v52+s9+$0x0], $0xffff  }
0x10f: {  	v2 =	vadd.f32 v4, v2;
	v3 =	vadd.f32 v53, v3;
	v4 =	vmul.f32 v53, v53  }
0x110: {  	v59 =	vor.u32 $0x13, v1;
	v58 =	vld.idx.msk [tilespmem:v54+s9+$0x0], $0xffff  }
0x111: {  	v2 =	vadd.f32 v4, v2;
	v3 =	vadd.f32 v55, v3;
	v4 =	vmul.f32 v55, v55  }
0x112: {  	v61 =	vor.u32 $0x14, v1;
	v60 =	vld.idx.msk [tilespmem:v56+s9+$0x0], $0xffff  }
0x113: {  	v2 =	vadd.f32 v4, v2;
	v3 =	vadd.f32 v5, v3;
	v4 =	vmul.f32 v5, v5  }
0x114: {  	v62 =	vor.u32 $0x15, v1;
	v5 =	vld.idx.msk [tilespmem:v57+s9+$0x0], $0xffff  }
0x115: {  	v2 =	vadd.f32 v4, v2;
	v3 =	vadd.f32 v58, v3;
	v4 =	vmul.f32 v58, v58  }
0x116: {  	v12 =	vor.u32 $0x16, v1;
	v63 =	vld.idx.msk [tilespmem:v59+s9+$0x0], $0xffff  }
0x117: {  	v2 =	vadd.f32 v4, v2;
	v3 =	vadd.f32 v60, v3;
	v4 =	vmul.f32 v60, v60  }
0x118: {  	v14 =	vor.u32 $0x17, v1;
	v13 =	vld.idx.msk [tilespmem:v61+s9+$0x0], $0xffff  }
0x119: {  	v2 =	vadd.f32 v4, v2;
	v3 =	vadd.f32 v5, v3;
	v4 =	vmul.f32 v5, v5  }
0x11a: {  	v15 =	vor.u32 $0x18, v1;
	v5 =	vld.idx.msk [tilespmem:v62+s9+$0x0], $0xffff  }
0x11b: {  	v2 =	vadd.f32 v4, v2;
	v3 =	vadd.f32 v63, v3;
	v4 =	vmul.f32 v63, v63  }
0x11c: {  	v17 =	vor.u32 $0x19, v1;
	v16 =	vld.idx.msk [tilespmem:v12+s9+$0x0], $0xffff  }
0x11d: {  	v2 =	vadd.f32 v4, v2;
	v3 =	vadd.f32 v13, v3;
	v4 =	vmul.f32 v13, v13  }
0x11e: {  	v19 =	vor.u32 $0x1A, v1;
	v18 =	vld.idx.msk [tilespmem:v14+s9+$0x0], $0xffff  }
0x11f: {  	v2 =	vadd.f32 v4, v2;
	v3 =	vadd.f32 v5, v3;
	v4 =	vmul.f32 v5, v5  }
0x120: {  	v20 =	vor.u32 $0x1B, v1;
	v5 =	vld.idx.msk [tilespmem:v15+s9+$0x0], $0xffff  }
0x121: {  	v2 =	vadd.f32 v4, v2;
	v3 =	vadd.f32 v16, v3;
	v4 =	vmul.f32 v16, v16  }
0x122: {  	v22 =	vor.u32 $0x1C, v1;
	v21 =	vld.idx.msk [tilespmem:v17+s9+$0x0], $0xffff  }
0x123: {  	v2 =	vadd.f32 v4, v2;
	v3 =	vadd.f32 v18, v3;
	v4 =	vmul.f32 v18, v18  }
0x124: {  	v24 =	vor.u32 $0x1D, v1;
	v23 =	vld.idx.msk [tilespmem:v19+s9+$0x0], $0xffff  }
0x125: {  	v2 =	vadd.f32 v4, v2;
	v3 =	vadd.f32 v5, v3;
	v4 =	vmul.f32 v5, v5  }
0x126: {  	v25 =	vor.u32 $0x1E, v1;
	v5 =	vld.idx.msk [tilespmem:v20+s9+$0x0], $0xffff  }
0x127: {  	v2 =	vadd.f32 v4, v2;
	v3 =	vadd.f32 v21, v3;
	v4 =	vmul.f32 v21, v21  }
0x128: {  	v1 =	vor.u32 $0x1F, v1;
	v26 =	vld.idx.msk [tilespmem:v22+s9+$0x0], $0xffff  }
0x129: {  	v2 =	vadd.f32 v4, v2;
	v3 =	vadd.f32 v23, v3;
	v4 =	vmul.f32 v23, v23  }
0x12a: {  	v27 =	vld.idx.msk [tilespmem:v24+s9+$0x0], $0xffff  }
0x12b: {  	v2 =	vadd.f32 v4, v2;
	v3 =	vadd.f32 v5, v3;
	v4 =	vmul.f32 v5, v5  }
0x12c: {  	v5 =	vld.idx.msk [tilespmem:v25+s9+$0x0], $0xffff  }
0x12d: {  	v2 =	vadd.f32 v4, v2;
	v3 =	vadd.f32 v26, v3;
	v4 =	vmul.f32 v26, v26  }
0x12e: {  	v1 =	vld.idx.msk [tilespmem:v1+s9+$0x0], $0xffff  }
0x12f: {  	v2 =	vadd.f32 v4, v2;
	v3 =	vadd.f32 v27, v3;
	v4 =	vmul.f32 v27, v27;
	_ =	sdelay $0x1  }
0x130: {  	v2 =	vadd.f32 v4, v2;
	v3 =	vadd.f32 v5, v3;
	v4 =	vmul.f32 v5, v5;
	_ =	sdelay $0x1  }
0x131: {  	v2 =	vadd.f32 v4, v2;
	v3 =	vadd.f32 v1, v3;
	v1 =	vmul.f32 v1, v1;
	_ =	sdelay $0x1  }
0x132: {  	v1 =	vadd.f32 v1, v2;
	v2 =	vmul.f32 v3, v3;
	_ =	sdelay $0x1  }
0x133: {  	v1 =	vsub.f32 v2, v1  }
0x134: {  	s20 =	simm.s32 $0x80  }
0x135: {  	p0 =	seq.s32 s17, $0xC;
	v2 =	vmov s20;
	v1 =	vmul.f32 $5.000000000e-01, v1  }
0x136: {  	s18 =	sshrl.u32 @!p0 s18, $0x2;
	s19 =	sadd.s32 $0x10, s19;
	v2 =	vshll.u32 v2, $0x5  }
0x137: {  	s18 =	sadd.s32 @!p0 $0x100, s18;
	s20 =	simm.s32 @!p0 $0xD00;
	[tilespmem:s19+$0x0] =	vst v1;
	s19 =	simm.s32 @!p0 $0x80;
	v1 =	vor.u32 v0, v2  }
0x138: {  	[tilespmem:s20], [sflag:$0x1] =	stream.indirect.gather @!p0 [hbm4b:s3+s19], $0x20, s18, s19, $0xb8;
	[tilespmem:$0x3A00] =	vst v63  }
0x139: {  	v2 =	vor.u32 $0x1, v1;
	_ =	swait.ge [sflag:s12], $0x1000  }
0x13a: {  	[sflag:s12] =	ssyncset.done $0x0  }
0x13b: {  	v3 =	vor.u32 $0x2, v1;
	[sflag:s12] =	ssyncadd.s32 $0xFFFFF000  }
0x13c: {  	v4 =	vld.idx.msk [tilespmem:v1+s9+$0x0], $0xffff  }
0x13d: {  	v5 =	vor.u32 $0x3, v1  }
0x13e: {  	v2 =	vld.idx.msk [tilespmem:v2+s9+$0x0], $0xffff  }
0x13f: {  	v28 =	vor.u32 $0x4, v1  }
0x140: {  	v3 =	vld.idx.msk [tilespmem:v3+s9+$0x0], $0xffff  }
0x141: {  	v29 =	vor.u32 $0x5, v1;
	v30 =	vadd.f32 $0.0e+00, v4  }
0x142: {  	v31 =	vor.u32 $0x6, v1;
	v5 =	vld.idx.msk [tilespmem:v5+s9+$0x0], $0xffff  }
0x143: {  	v4 =	vmul.f32 v4, v4;
	v8 =	vadd.f32 v2, v30;
	v2 =	vmul.f32 v2, v2  }
0x144: {  	v32 =	vor.u32 $0x7, v1;
	v6 =	vld.idx.msk [tilespmem:v28+s9+$0x0], $0xffff  }
0x145: {  	v2 =	vadd.f32 v2, v4;
	v4 =	vadd.f32 v3, v8;
	v3 =	vmul.f32 v3, v3  }
0x146: {  	v33 =	vor.u32 $0x8, v1;
	v7 =	vld.idx.msk [tilespmem:v29+s9+$0x0], $0xffff  }
0x147: {  	v2 =	vadd.f32 v3, v2;
	v3 =	vadd.f32 v5, v4;
	v4 =	vmul.f32 v5, v5  }
0x148: {  	v34 =	vor.u32 $0x9, v1;
	v5 =	vld.idx.msk [tilespmem:v31+s9+$0x0], $0xffff  }
0x149: {  	v2 =	vadd.f32 v4, v2;
	v3 =	vadd.f32 v6, v3;
	v4 =	vmul.f32 v6, v6  }
0x14a: {  	v36 =	vor.u32 $0xA, v1;
	v35 =	vld.idx.msk [tilespmem:v32+s9+$0x0], $0xffff  }
0x14b: {  	v2 =	vadd.f32 v4, v2;
	v3 =	vadd.f32 v7, v3;
	v4 =	vmul.f32 v7, v7  }
0x14c: {  	v38 =	vor.u32 $0xB, v1;
	v37 =	vld.idx.msk [tilespmem:v33+s9+$0x0], $0xffff  }
0x14d: {  	v2 =	vadd.f32 v4, v2;
	v3 =	vadd.f32 v5, v3;
	v4 =	vmul.f32 v5, v5  }
0x14e: {  	v39 =	vor.u32 $0xC, v1;
	v5 =	vld.idx.msk [tilespmem:v34+s9+$0x0], $0xffff  }
0x14f: {  	v2 =	vadd.f32 v4, v2;
	v3 =	vadd.f32 v35, v3;
	v4 =	vmul.f32 v35, v35  }
0x150: {  	v41 =	vor.u32 $0xD, v1;
	v40 =	vld.idx.msk [tilespmem:v36+s9+$0x0], $0xffff  }
0x151: {  	v2 =	vadd.f32 v4, v2;
	v3 =	vadd.f32 v37, v3;
	v4 =	vmul.f32 v37, v37  }
0x152: {  	v43 =	vor.u32 $0xE, v1;
	v42 =	vld.idx.msk [tilespmem:v38+s9+$0x0], $0xffff  }
0x153: {  	v2 =	vadd.f32 v4, v2;
	v3 =	vadd.f32 v5, v3;
	v4 =	vmul.f32 v5, v5  }
0x154: {  	v44 =	vor.u32 $0xF, v1;
	v5 =	vld.idx.msk [tilespmem:v39+s9+$0x0], $0xffff  }
0x155: {  	v2 =	vadd.f32 v4, v2;
	v3 =	vadd.f32 v40, v3;
	v4 =	vmul.f32 v40, v40  }
0x156: {  	v46 =	vor.u32 $0x10, v1;
	v45 =	vld.idx.msk [tilespmem:v41+s9+$0x0], $0xffff  }
0x157: {  	v2 =	vadd.f32 v4, v2;
	v3 =	vadd.f32 v42, v3;
	v4 =	vmul.f32 v42, v42  }
0x158: {  	v48 =	vor.u32 $0x11, v1;
	v47 =	vld.idx.msk [tilespmem:v43+s9+$0x0], $0xffff  }
0x159: {  	v2 =	vadd.f32 v4, v2;
	v3 =	vadd.f32 v5, v3;
	v4 =	vmul.f32 v5, v5  }
0x15a: {  	v49 =	vor.u32 $0x12, v1;
	v5 =	vld.idx.msk [tilespmem:v44+s9+$0x0], $0xffff  }
0x15b: {  	v2 =	vadd.f32 v4, v2;
	v3 =	vadd.f32 v45, v3;
	v4 =	vmul.f32 v45, v45  }
0x15c: {  	v51 =	vor.u32 $0x13, v1;
	v50 =	vld.idx.msk [tilespmem:v46+s9+$0x0], $0xffff  }
0x15d: {  	v2 =	vadd.f32 v4, v2;
	v3 =	vadd.f32 v47, v3;
	v4 =	vmul.f32 v47, v47  }
0x15e: {  	v53 =	vor.u32 $0x14, v1;
	v52 =	vld.idx.msk [tilespmem:v48+s9+$0x0], $0xffff  }
0x15f: {  	v2 =	vadd.f32 v4, v2;
	v3 =	vadd.f32 v5, v3;
	v4 =	vmul.f32 v5, v5  }
0x160: {  	v54 =	vor.u32 $0x15, v1;
	v5 =	vld.idx.msk [tilespmem:v49+s9+$0x0], $0xffff  }
0x161: {  	v2 =	vadd.f32 v4, v2;
	v3 =	vadd.f32 v50, v3;
	v4 =	vmul.f32 v50, v50  }
0x162: {  	v56 =	vor.u32 $0x16, v1;
	v55 =	vld.idx.msk [tilespmem:v51+s9+$0x0], $0xffff  }
0x163: {  	v2 =	vadd.f32 v4, v2;
	v3 =	vadd.f32 v52, v3;
	v4 =	vmul.f32 v52, v52  }
0x164: {  	v58 =	vor.u32 $0x17, v1;
	v57 =	vld.idx.msk [tilespmem:v53+s9+$0x0], $0xffff  }
0x165: {  	v2 =	vadd.f32 v4, v2;
	v3 =	vadd.f32 v5, v3;
	v4 =	vmul.f32 v5, v5  }
0x166: {  	v59 =	vor.u32 $0x18, v1;
	v5 =	vld.idx.msk [tilespmem:v54+s9+$0x0], $0xffff  }
0x167: {  	v2 =	vadd.f32 v4, v2;
	v3 =	vadd.f32 v55, v3;
	v4 =	vmul.f32 v55, v55  }
0x168: {  	v61 =	vor.u32 $0x19, v1;
	v60 =	vld.idx.msk [tilespmem:v56+s9+$0x0], $0xffff  }
0x169: {  	v2 =	vadd.f32 v4, v2;
	v3 =	vadd.f32 v57, v3;
	v4 =	vmul.f32 v57, v57  }
0x16a: {  	v63 =	vor.u32 $0x1A, v1;
	v62 =	vld.idx.msk [tilespmem:v58+s9+$0x0], $0xffff  }
0x16b: {  	v2 =	vadd.f32 v4, v2;
	v3 =	vadd.f32 v5, v3;
	v4 =	vmul.f32 v5, v5  }
0x16c: {  	v12 =	vor.u32 $0x1B, v1;
	v5 =	vld.idx.msk [tilespmem:v59+s9+$0x0], $0xffff  }
0x16d: {  	v2 =	vadd.f32 v4, v2;
	v3 =	vadd.f32 v60, v3;
	v4 =	vmul.f32 v60, v60  }
0x16e: {  	v14 =	vor.u32 $0x1C, v1;
	v13 =	vld.idx.msk [tilespmem:v61+s9+$0x0], $0xffff  }
0x16f: {  	v2 =	vadd.f32 v4, v2;
	v3 =	vadd.f32 v62, v3;
	v4 =	vmul.f32 v62, v62  }
0x170: {  	v16 =	vor.u32 $0x1D, v1;
	v15 =	vld.idx.msk [tilespmem:v63+s9+$0x0], $0xffff  }
0x171: {  	v2 =	vadd.f32 v4, v2;
	v3 =	vadd.f32 v5, v3;
	v4 =	vmul.f32 v5, v5  }
0x172: {  	v17 =	vor.u32 $0x1E, v1;
	v5 =	vld.idx.msk [tilespmem:v12+s9+$0x0], $0xffff  }
0x173: {  	v2 =	vadd.f32 v4, v2;
	v3 =	vadd.f32 v13, v3;
	v4 =	vmul.f32 v13, v13  }
0x174: {  	v1 =	vor.u32 $0x1F, v1;
	v18 =	vld.idx.msk [tilespmem:v14+s9+$0x0], $0xffff  }
0x175: {  	v2 =	vadd.f32 v4, v2;
	v3 =	vadd.f32 v15, v3;
	v4 =	vmul.f32 v15, v15  }
0x176: {  	v19 =	vld.idx.msk [tilespmem:v16+s9+$0x0], $0xffff  }
0x177: {  	v2 =	vadd.f32 v4, v2;
	v3 =	vadd.f32 v5, v3;
	v4 =	vmul.f32 v5, v5  }
0x178: {  	v5 =	vld.idx.msk [tilespmem:v17+s9+$0x0], $0xffff  }
0x179: {  	v2 =	vadd.f32 v4, v2;
	v3 =	vadd.f32 v18, v3;
	v4 =	vmul.f32 v18, v18  }
0x17a: {  	v1 =	vld.idx.msk [tilespmem:v1+s9+$0x0], $0xffff  }
0x17b: {  	v2 =	vadd.f32 v4, v2;
	v3 =	vadd.f32 v19, v3;
	v4 =	vmul.f32 v19, v19;
	_ =	sdelay $0x1  }
0x17c: {  	v2 =	vadd.f32 v4, v2;
	v3 =	vadd.f32 v5, v3;
	v4 =	vmul.f32 v5, v5;
	_ =	sdelay $0x1  }
0x17d: {  	v2 =	vadd.f32 v4, v2;
	v3 =	vadd.f32 v1, v3;
	v1 =	vmul.f32 v1, v1  }
0x17e: {  	s30 =	simm.s32 $0x90  }
0x17f: {  	v4 =	vmov s30;
	v2 =	vadd.f32 v1, v2;
	v3 =	vmul.f32 v3, v3  }
0x180: {  	v1 =	vshll.u32 v4, $0x5  }
0x181: {  	v1 =	vor.u32 v0, v1;
	v2 =	vsub.f32 v3, v2;
	_ =	sdelay $0x1  }
0x182: {  	v3 =	vor.u32 $0x1, v1;
	v2 =	vmul.f32 $5.000000000e-01, v2;
	_ =	sdelay $0x1  }
0x183: {  	v4 =	vor.u32 $0x2, v1;
	[tilespmem:s15+$0x0] =	vst v2  }
0x184: {  	v2 =	vld.idx.msk [tilespmem:v1+s9+$0x0], $0xffff  }
0x185: {  	v5 =	vor.u32 $0x3, v1  }
0x186: {  	v3 =	vld.idx.msk [tilespmem:v3+s9+$0x0], $0xffff  }
0x187: {  	v20 =	vor.u32 $0x4, v1  }
0x188: {  	v4 =	vld.idx.msk [tilespmem:v4+s9+$0x0], $0xffff  }
0x189: {  	v21 =	vor.u32 $0x5, v1;
	v22 =	vadd.f32 $0.0e+00, v2  }
0x18a: {  	v23 =	vor.u32 $0x6, v1;
	v5 =	vld.idx.msk [tilespmem:v5+s9+$0x0], $0xffff  }
0x18b: {  	v2 =	vmul.f32 v2, v2;
	v8 =	vadd.f32 v3, v22;
	v3 =	vmul.f32 v3, v3  }
0x18c: {  	v24 =	vor.u32 $0x7, v1;
	v6 =	vld.idx.msk [tilespmem:v20+s9+$0x0], $0xffff  }
0x18d: {  	v2 =	vadd.f32 v3, v2;
	v3 =	vadd.f32 v4, v8;
	v4 =	vmul.f32 v4, v4  }
0x18e: {  	v25 =	vor.u32 $0x8, v1;
	v7 =	vld.idx.msk [tilespmem:v21+s9+$0x0], $0xffff  }
0x18f: {  	v2 =	vadd.f32 v4, v2;
	v3 =	vadd.f32 v5, v3;
	v4 =	vmul.f32 v5, v5  }
0x190: {  	v26 =	vor.u32 $0x9, v1;
	v5 =	vld.idx.msk [tilespmem:v23+s9+$0x0], $0xffff  }
0x191: {  	v2 =	vadd.f32 v4, v2;
	v3 =	vadd.f32 v6, v3;
	v4 =	vmul.f32 v6, v6  }
0x192: {  	v28 =	vor.u32 $0xA, v1;
	v27 =	vld.idx.msk [tilespmem:v24+s9+$0x0], $0xffff  }
0x193: {  	v2 =	vadd.f32 v4, v2;
	v3 =	vadd.f32 v7, v3;
	v4 =	vmul.f32 v7, v7  }
0x194: {  	v30 =	vor.u32 $0xB, v1;
	v29 =	vld.idx.msk [tilespmem:v25+s9+$0x0], $0xffff  }
0x195: {  	v2 =	vadd.f32 v4, v2;
	v3 =	vadd.f32 v5, v3;
	v4 =	vmul.f32 v5, v5  }
0x196: {  	v31 =	vor.u32 $0xC, v1;
	v5 =	vld.idx.msk [tilespmem:v26+s9+$0x0], $0xffff  }
0x197: {  	v2 =	vadd.f32 v4, v2;
	v3 =	vadd.f32 v27, v3;
	v4 =	vmul.f32 v27, v27  }
0x198: {  	v33 =	vor.u32 $0xD, v1;
	v32 =	vld.idx.msk [tilespmem:v28+s9+$0x0], $0xffff  }
0x199: {  	v2 =	vadd.f32 v4, v2;
	v3 =	vadd.f32 v29, v3;
	v4 =	vmul.f32 v29, v29  }
0x19a: {  	v35 =	vor.u32 $0xE, v1;
	v34 =	vld.idx.msk [tilespmem:v30+s9+$0x0], $0xffff  }
0x19b: {  	v2 =	vadd.f32 v4, v2;
	v3 =	vadd.f32 v5, v3;
	v4 =	vmul.f32 v5, v5  }
0x19c: {  	v36 =	vor.u32 $0xF, v1;
	v5 =	vld.idx.msk [tilespmem:v31+s9+$0x0], $0xffff  }
0x19d: {  	v2 =	vadd.f32 v4, v2;
	v3 =	vadd.f32 v32, v3;
	v4 =	vmul.f32 v32, v32  }
0x19e: {  	v38 =	vor.u32 $0x10, v1;
	v37 =	vld.idx.msk [tilespmem:v33+s9+$0x0], $0xffff  }
0x19f: {  	v2 =	vadd.f32 v4, v2;
	v3 =	vadd.f32 v34, v3;
	v4 =	vmul.f32 v34, v34  }
0x1a0: {  	v40 =	vor.u32 $0x11, v1;
	v39 =	vld.idx.msk [tilespmem:v35+s9+$0x0], $0xffff  }
0x1a1: {  	v2 =	vadd.f32 v4, v2;
	v3 =	vadd.f32 v5, v3;
	v4 =	vmul.f32 v5, v5  }
0x1a2: {  	v41 =	vor.u32 $0x12, v1;
	v5 =	vld.idx.msk [tilespmem:v36+s9+$0x0], $0xffff  }
0x1a3: {  	v2 =	vadd.f32 v4, v2;
	v3 =	vadd.f32 v37, v3;
	v4 =	vmul.f32 v37, v37  }
0x1a4: {  	v43 =	vor.u32 $0x13, v1;
	v42 =	vld.idx.msk [tilespmem:v38+s9+$0x0], $0xffff  }
0x1a5: {  	v2 =	vadd.f32 v4, v2;
	v3 =	vadd.f32 v39, v3;
	v4 =	vmul.f32 v39, v39  }
0x1a6: {  	v45 =	vor.u32 $0x14, v1;
	v44 =	vld.idx.msk [tilespmem:v40+s9+$0x0], $0xffff  }
0x1a7: {  	v2 =	vadd.f32 v4, v2;
	v3 =	vadd.f32 v5, v3;
	v4 =	vmul.f32 v5, v5  }
0x1a8: {  	v46 =	vor.u32 $0x15, v1;
	v5 =	vld.idx.msk [tilespmem:v41+s9+$0x0], $0xffff  }
0x1a9: {  	v2 =	vadd.f32 v4, v2;
	v3 =	vadd.f32 v42, v3;
	v4 =	vmul.f32 v42, v42  }
0x1aa: {  	v48 =	vor.u32 $0x16, v1;
	v47 =	vld.idx.msk [tilespmem:v43+s9+$0x0], $0xffff  }
0x1ab: {  	v2 =	vadd.f32 v4, v2;
	v3 =	vadd.f32 v44, v3;
	v4 =	vmul.f32 v44, v44  }
0x1ac: {  	v50 =	vor.u32 $0x17, v1;
	v49 =	vld.idx.msk [tilespmem:v45+s9+$0x0], $0xffff  }
0x1ad: {  	v2 =	vadd.f32 v4, v2;
	v3 =	vadd.f32 v5, v3;
	v4 =	vmul.f32 v5, v5  }
0x1ae: {  	v51 =	vor.u32 $0x18, v1;
	v5 =	vld.idx.msk [tilespmem:v46+s9+$0x0], $0xffff  }
0x1af: {  	v2 =	vadd.f32 v4, v2;
	v3 =	vadd.f32 v47, v3;
	v4 =	vmul.f32 v47, v47  }
0x1b0: {  	v53 =	vor.u32 $0x19, v1;
	v52 =	vld.idx.msk [tilespmem:v48+s9+$0x0], $0xffff  }
0x1b1: {  	v2 =	vadd.f32 v4, v2;
	v3 =	vadd.f32 v49, v3;
	v4 =	vmul.f32 v49, v49  }
0x1b2: {  	v55 =	vor.u32 $0x1A, v1;
	v54 =	vld.idx.msk [tilespmem:v50+s9+$0x0], $0xffff  }
0x1b3: {  	v2 =	vadd.f32 v4, v2;
	v3 =	vadd.f32 v5, v3;
	v4 =	vmul.f32 v5, v5  }
0x1b4: {  	v56 =	vor.u32 $0x1B, v1;
	v5 =	vld.idx.msk [tilespmem:v51+s9+$0x0], $0xffff  }
0x1b5: {  	v2 =	vadd.f32 v4, v2;
	v3 =	vadd.f32 v52, v3;
	v4 =	vmul.f32 v52, v52  }
0x1b6: {  	v58 =	vor.u32 $0x1C, v1;
	v57 =	vld.idx.msk [tilespmem:v53+s9+$0x0], $0xffff  }
0x1b7: {  	v2 =	vadd.f32 v4, v2;
	v3 =	vadd.f32 v54, v3;
	v4 =	vmul.f32 v54, v54  }
0x1b8: {  	v60 =	vor.u32 $0x1D, v1;
	v59 =	vld.idx.msk [tilespmem:v55+s9+$0x0], $0xffff  }
0x1b9: {  	v2 =	vadd.f32 v4, v2;
	v3 =	vadd.f32 v5, v3;
	v4 =	vmul.f32 v5, v5  }
0x1ba: {  	v61 =	vor.u32 $0x1E, v1;
	v5 =	vld.idx.msk [tilespmem:v56+s9+$0x0], $0xffff  }
0x1bb: {  	v2 =	vadd.f32 v4, v2;
	v3 =	vadd.f32 v57, v3;
	v4 =	vmul.f32 v57, v57  }
0x1bc: {  	v62 =	vld.idx.msk [tilespmem:v58+s9+$0x0], $0xffff;
	v1 =	vor.u32 $0x1F, v1  }
0x1bd: {  	v2 =	vadd.f32 v4, v2;
	v3 =	vadd.f32 v59, v3;
	v4 =	vmul.f32 v59, v59  }
0x1be: {  	v63 =	vld.idx.msk [tilespmem:v60+s9+$0x0], $0xffff  }
0x1bf: {  	v2 =	vadd.f32 v4, v2;
	v3 =	vadd.f32 v5, v3;
	v4 =	vmul.f32 v5, v5  }
0x1c0: {  	v5 =	vld.idx.msk [tilespmem:v61+s9+$0x0], $0xffff  }
0x1c1: {  	v2 =	vadd.f32 v4, v2;
	v3 =	vadd.f32 v62, v3;
	v4 =	vmul.f32 v62, v62  }
0x1c2: {  	v1 =	vld.idx.msk [tilespmem:v1+s9+$0x0], $0xffff  }
0x1c3: {  	v2 =	vadd.f32 v4, v2;
	v3 =	vadd.f32 v63, v3;
	v4 =	vmul.f32 v63, v63;
	_ =	sdelay $0x1  }
0x1c4: {  	v2 =	vadd.f32 v4, v2;
	v3 =	vadd.f32 v5, v3;
	v4 =	vmul.f32 v5, v5;
	_ =	sdelay $0x1  }
0x1c5: {  	v2 =	vadd.f32 v4, v2;
	v3 =	vadd.f32 v1, v3;
	v4 =	vmul.f32 v1, v1  }
0x1c6: {  	s31 =	simm.s32 $0xA0  }
0x1c7: {  	s19 =	simm.s32 $0xB0;
	s18 =	smov.u32 s15;
	v1 =	vmov s31;
	v2 =	vadd.f32 v4, v2;
	v3 =	vmul.f32 v3, v3  }
.LBB2_5:
0x1c8: {  	p0 =	sne.s32 s19, $0xF0;
	v1 =	vshll.u32 v1, $0x5  }
0x1c9: {  	v1 =	vor.u32 v0, v1;
	v2 =	vsub.f32 v3, v2;
	_ =	sdelay $0x1  }
0x1ca: {  	v3 =	vor.u32 $0x1, v1;
	v2 =	vmul.f32 $5.000000000e-01, v2  }
0x1cb: {  	s18 =	sadd.s32 $0x10, s18  }
0x1cc: {  	v4 =	vor.u32 $0x2, v1;
	[tilespmem:s18+$0x0] =	vst v2  }
0x1cd: {  	v2 =	vld.idx.msk [tilespmem:v1+s9+$0x0], $0xffff  }
0x1ce: {  	v5 =	vor.u32 $0x3, v1  }
0x1cf: {  	v3 =	vld.idx.msk [tilespmem:v3+s9+$0x0], $0xffff  }
0x1d0: {  	v6 =	vor.u32 $0x4, v1  }
0x1d1: {  	v4 =	vld.idx.msk [tilespmem:v4+s9+$0x0], $0xffff  }
0x1d2: {  	v7 =	vor.u32 $0x5, v1  }
0x1d3: {  	v8 =	vadd.f32 $0.0e+00, v2;
	v5 =	vld.idx.msk [tilespmem:v5+s9+$0x0], $0xffff  }
0x1d4: {  	v9 =	vor.u32 $0x6, v1  }
0x1d5: {  	v2 =	vmul.f32 v2, v2;
	v8 =	vadd.f32 v3, v8;
	v3 =	vmul.f32 v3, v3;
	v6 =	vld.idx.msk [tilespmem:v6+s9+$0x0], $0xffff  }
0x1d6: {  	v10 =	vor.u32 $0x7, v1  }
0x1d7: {  	v2 =	vadd.f32 v3, v2;
	v3 =	vadd.f32 v4, v8;
	v4 =	vmul.f32 v4, v4;
	v7 =	vld.idx.msk [tilespmem:v7+s9+$0x0], $0xffff  }
0x1d8: {  	v8 =	vor.u32 $0x8, v1  }
0x1d9: {  	v2 =	vadd.f32 v4, v2;
	v3 =	vadd.f32 v5, v3;
	v4 =	vmul.f32 v5, v5;
	v5 =	vld.idx.msk [tilespmem:v9+s9+$0x0], $0xffff  }
0x1da: {  	v9 =	vor.u32 $0x9, v1  }
0x1db: {  	v2 =	vadd.f32 v4, v2;
	v3 =	vadd.f32 v6, v3;
	v4 =	vmul.f32 v6, v6;
	v6 =	vld.idx.msk [tilespmem:v10+s9+$0x0], $0xffff  }
0x1dc: {  	v10 =	vor.u32 $0xA, v1  }
0x1dd: {  	v2 =	vadd.f32 v4, v2;
	v3 =	vadd.f32 v7, v3;
	v4 =	vmul.f32 v7, v7;
	v7 =	vld.idx.msk [tilespmem:v8+s9+$0x0], $0xffff  }
0x1de: {  	v8 =	vor.u32 $0xB, v1  }
0x1df: {  	v2 =	vadd.f32 v4, v2;
	v3 =	vadd.f32 v5, v3;
	v4 =	vmul.f32 v5, v5;
	v5 =	vld.idx.msk [tilespmem:v9+s9+$0x0], $0xffff  }
0x1e0: {  	v9 =	vor.u32 $0xC, v1  }
0x1e1: {  	v2 =	vadd.f32 v4, v2;
	v3 =	vadd.f32 v6, v3;
	v4 =	vmul.f32 v6, v6;
	v6 =	vld.idx.msk [tilespmem:v10+s9+$0x0], $0xffff  }
0x1e2: {  	v10 =	vor.u32 $0xD, v1  }
0x1e3: {  	v2 =	vadd.f32 v4, v2;
	v3 =	vadd.f32 v7, v3;
	v4 =	vmul.f32 v7, v7;
	v7 =	vld.idx.msk [tilespmem:v8+s9+$0x0], $0xffff  }
0x1e4: {  	v8 =	vor.u32 $0xE, v1  }
0x1e5: {  	v2 =	vadd.f32 v4, v2;
	v3 =	vadd.f32 v5, v3;
	v4 =	vmul.f32 v5, v5;
	v5 =	vld.idx.msk [tilespmem:v9+s9+$0x0], $0xffff  }
0x1e6: {  	v9 =	vor.u32 $0xF, v1  }
0x1e7: {  	v2 =	vadd.f32 v4, v2;
	v3 =	vadd.f32 v6, v3;
	v4 =	vmul.f32 v6, v6;
	v6 =	vld.idx.msk [tilespmem:v10+s9+$0x0], $0xffff  }
0x1e8: {  	v10 =	vor.u32 $0x10, v1  }
0x1e9: {  	v2 =	vadd.f32 v4, v2;
	v3 =	vadd.f32 v7, v3;
	v4 =	vmul.f32 v7, v7;
	v7 =	vld.idx.msk [tilespmem:v8+s9+$0x0], $0xffff  }
0x1ea: {  	v8 =	vor.u32 $0x11, v1  }
0x1eb: {  	v2 =	vadd.f32 v4, v2;
	v3 =	vadd.f32 v5, v3;
	v4 =	vmul.f32 v5, v5;
	v5 =	vld.idx.msk [tilespmem:v9+s9+$0x0], $0xffff  }
0x1ec: {  	v9 =	vor.u32 $0x12, v1  }
0x1ed: {  	v2 =	vadd.f32 v4, v2;
	v3 =	vadd.f32 v6, v3;
	v4 =	vmul.f32 v6, v6;
	v6 =	vld.idx.msk [tilespmem:v10+s9+$0x0], $0xffff  }
0x1ee: {  	v10 =	vor.u32 $0x13, v1  }
0x1ef: {  	v2 =	vadd.f32 v4, v2;
	v3 =	vadd.f32 v7, v3;
	v4 =	vmul.f32 v7, v7;
	v7 =	vld.idx.msk [tilespmem:v8+s9+$0x0], $0xffff  }
0x1f0: {  	v8 =	vor.u32 $0x14, v1  }
0x1f1: {  	v2 =	vadd.f32 v4, v2;
	v3 =	vadd.f32 v5, v3;
	v4 =	vmul.f32 v5, v5;
	v5 =	vld.idx.msk [tilespmem:v9+s9+$0x0], $0xffff  }
0x1f2: {  	v9 =	vor.u32 $0x15, v1  }
0x1f3: {  	v2 =	vadd.f32 v4, v2;
	v3 =	vadd.f32 v6, v3;
	v4 =	vmul.f32 v6, v6;
	v6 =	vld.idx.msk [tilespmem:v10+s9+$0x0], $0xffff  }
0x1f4: {  	v10 =	vor.u32 $0x16, v1  }
0x1f5: {  	v2 =	vadd.f32 v4, v2;
	v3 =	vadd.f32 v7, v3;
	v4 =	vmul.f32 v7, v7;
	v7 =	vld.idx.msk [tilespmem:v8+s9+$0x0], $0xffff  }
0x1f6: {  	v8 =	vor.u32 $0x17, v1  }
0x1f7: {  	v2 =	vadd.f32 v4, v2;
	v3 =	vadd.f32 v5, v3;
	v4 =	vmul.f32 v5, v5;
	v5 =	vld.idx.msk [tilespmem:v9+s9+$0x0], $0xffff  }
0x1f8: {  	v9 =	vor.u32 $0x18, v1  }
0x1f9: {  	v2 =	vadd.f32 v4, v2;
	v3 =	vadd.f32 v6, v3;
	v4 =	vmul.f32 v6, v6;
	v6 =	vld.idx.msk [tilespmem:v10+s9+$0x0], $0xffff  }
0x1fa: {  	v10 =	vor.u32 $0x19, v1  }
0x1fb: {  	v2 =	vadd.f32 v4, v2;
	v3 =	vadd.f32 v7, v3;
	v4 =	vmul.f32 v7, v7;
	v7 =	vld.idx.msk [tilespmem:v8+s9+$0x0], $0xffff  }
0x1fc: {  	v8 =	vor.u32 $0x1A, v1  }
0x1fd: {  	v2 =	vadd.f32 v4, v2;
	v3 =	vadd.f32 v5, v3;
	v4 =	vmul.f32 v5, v5;
	v5 =	vld.idx.msk [tilespmem:v9+s9+$0x0], $0xffff  }
0x1fe: {  	v9 =	vor.u32 $0x1B, v1  }
0x1ff: {  	v2 =	vadd.f32 v4, v2;
	v3 =	vadd.f32 v6, v3;
	v4 =	vmul.f32 v6, v6;
	v6 =	vld.idx.msk [tilespmem:v10+s9+$0x0], $0xffff  }
0x200: {  	v10 =	vor.u32 $0x1C, v1  }
0x201: {  	v2 =	vadd.f32 v4, v2;
	v3 =	vadd.f32 v7, v3;
	v4 =	vmul.f32 v7, v7;
	v7 =	vld.idx.msk [tilespmem:v8+s9+$0x0], $0xffff  }
0x202: {  	v8 =	vor.u32 $0x1D, v1  }
0x203: {  	v2 =	vadd.f32 v4, v2;
	v3 =	vadd.f32 v5, v3;
	v4 =	vmul.f32 v5, v5;
	v5 =	vld.idx.msk [tilespmem:v9+s9+$0x0], $0xffff  }
0x204: {  	v9 =	vor.u32 $0x1E, v1  }
0x205: {  	v2 =	vadd.f32 v4, v2;
	v3 =	vadd.f32 v6, v3;
	v4 =	vmul.f32 v6, v6;
	v6 =	vld.idx.msk [tilespmem:v10+s9+$0x0], $0xffff  }
0x206: {  	v1 =	vor.u32 $0x1F, v1  }
0x207: {  	v2 =	vadd.f32 v4, v2;
	v3 =	vadd.f32 v7, v3;
	v4 =	vmul.f32 v7, v7;
	v7 =	vld.idx.msk [tilespmem:v8+s9+$0x0], $0xffff;
	_ =	sdelay $0x1  }
0x208: {  	v2 =	vadd.f32 v4, v2;
	v3 =	vadd.f32 v5, v3;
	v4 =	vmul.f32 v5, v5;
	v5 =	vld.idx.msk [tilespmem:v9+s9+$0x0], $0xffff;
	_ =	sdelay $0x1  }
0x209: {  	v2 =	vadd.f32 v4, v2;
	v3 =	vadd.f32 v6, v3;
	v4 =	vmul.f32 v6, v6;
	v1 =	vld.idx.msk [tilespmem:v1+s9+$0x0], $0xffff;
	_ =	sdelay $0x1  }
0x20a: {  	v2 =	vadd.f32 v4, v2;
	v3 =	vadd.f32 v7, v3;
	v4 =	vmul.f32 v7, v7;
	_ =	sdelay $0x1  }
.Ltmp1:
0x20b: {  	v2 =	vadd.f32 v4, v2;
	v3 =	vadd.f32 v5, v3;
	v4 =	vmul.f32 v5, v5;
	(pc) =	sbr.rel @p0 .LBB2_5-.Ltmp1, $3  }
0x20c: {  	_ = 	snop  }
0x20d: {  	v2 =	vadd.f32 v4, v2;
	v3 =	vadd.f32 v1, v3;
	v4 =	vmul.f32 v1, v1;
	_ =	sdelay $0x1  }
0x20e: {  	v1 =	vmov s19;
	s19 =	sadd.s32 $0x10, s19;
	v2 =	vadd.f32 v4, v2;
	v3 =	vmul.f32 v3, v3  }
0x20f: {  	v1 =	vshll.u32 v1, $0x5  }
0x210: {  	v1 =	vor.u32 v0, v1;
	v2 =	vsub.f32 v3, v2;
	_ =	sdelay $0x1  }
0x211: {  	v3 =	vor.u32 $0x1, v1;
	v2 =	vmul.f32 $5.000000000e-01, v2  }
0x212: {  	s18 =	sadd.s32 $0x10, s18  }
0x213: {  	v4 =	vor.u32 $0x2, v1;
	[tilespmem:s18+$0x0] =	vst v2  }
0x214: {  	v2 =	vld.idx.msk [tilespmem:v1+s9+$0x0], $0xffff  }
0x215: {  	v5 =	vor.u32 $0x3, v1  }
0x216: {  	v3 =	vld.idx.msk [tilespmem:v3+s9+$0x0], $0xffff  }
0x217: {  	v6 =	vor.u32 $0x4, v1  }
0x218: {  	v4 =	vld.idx.msk [tilespmem:v4+s9+$0x0], $0xffff  }
0x219: {  	v7 =	vor.u32 $0x5, v1;
	v8 =	vadd.f32 $0.0e+00, v2  }
0x21a: {  	v9 =	vor.u32 $0x6, v1;
	v5 =	vld.idx.msk [tilespmem:v5+s9+$0x0], $0xffff  }
0x21b: {  	v2 =	vmul.f32 v2, v2;
	v8 =	vadd.f32 v3, v8;
	v3 =	vmul.f32 v3, v3  }
0x21c: {  	v10 =	vor.u32 $0x7, v1;
	v6 =	vld.idx.msk [tilespmem:v6+s9+$0x0], $0xffff  }
0x21d: {  	v2 =	vadd.f32 v3, v2;
	v3 =	vadd.f32 v4, v8;
	v4 =	vmul.f32 v4, v4  }
0x21e: {  	v40 =	vor.u32 $0x8, v1;
	v7 =	vld.idx.msk [tilespmem:v7+s9+$0x0], $0xffff  }
0x21f: {  	v41 =	vmul.f32 v5, v5;
	v2 =	vadd.f32 v4, v2;
	v3 =	vadd.f32 v5, v3  }
0x220: {  	v43 =	vor.u32 $0x9, v1;
	v42 =	vld.idx.msk [tilespmem:v9+s9+$0x0], $0xffff  }
0x221: {  	v44 =	vmul.f32 v6, v6;
	v2 =	vadd.f32 v41, v2;
	v3 =	vadd.f32 v6, v3  }
0x222: {  	v46 =	vor.u32 $0xA, v1;
	v45 =	vld.idx.msk [tilespmem:v10+s9+$0x0], $0xffff  }
0x223: {  	v47 =	vmul.f32 v7, v7;
	v2 =	vadd.f32 v44, v2;
	v3 =	vadd.f32 v7, v3  }
0x224: {  	v49 =	vor.u32 $0xB, v1;
	v48 =	vld.idx.msk [tilespmem:v40+s9+$0x0], $0xffff  }
0x225: {  	v50 =	vmul.f32 v42, v42;
	v2 =	vadd.f32 v47, v2;
	v3 =	vadd.f32 v42, v3  }
0x226: {  	v52 =	vor.u32 $0xC, v1;
	v51 =	vld.idx.msk [tilespmem:v43+s9+$0x0], $0xffff  }
0x227: {  	v53 =	vmul.f32 v45, v45;
	v2 =	vadd.f32 v50, v2;
	v3 =	vadd.f32 v45, v3  }
0x228: {  	v55 =	vor.u32 $0xD, v1;
	v54 =	vld.idx.msk [tilespmem:v46+s9+$0x0], $0xffff  }
0x229: {  	v56 =	vmul.f32 v48, v48;
	v2 =	vadd.f32 v53, v2;
	v3 =	vadd.f32 v48, v3  }
0x22a: {  	v58 =	vor.u32 $0xE, v1;
	v57 =	vld.idx.msk [tilespmem:v49+s9+$0x0], $0xffff  }
0x22b: {  	v59 =	vmul.f32 v51, v51;
	v2 =	vadd.f32 v56, v2;
	v3 =	vadd.f32 v51, v3  }
0x22c: {  	v61 =	vor.u32 $0xF, v1;
	v60 =	vld.idx.msk [tilespmem:v52+s9+$0x0], $0xffff  }
0x22d: {  	v62 =	vmul.f32 v54, v54;
	v2 =	vadd.f32 v59, v2;
	v3 =	vadd.f32 v54, v3  }
0x22e: {  	v12 =	vor.u32 $0x10, v1;
	v63 =	vld.idx.msk [tilespmem:v55+s9+$0x0], $0xffff  }
0x22f: {  	v13 =	vmul.f32 v57, v57;
	v2 =	vadd.f32 v62, v2;
	v3 =	vadd.f32 v57, v3  }
0x230: {  	v15 =	vor.u32 $0x11, v1;
	v14 =	vld.idx.msk [tilespmem:v58+s9+$0x0], $0xffff  }
0x231: {  	v16 =	vmul.f32 v60, v60;
	v2 =	vadd.f32 v13, v2;
	v3 =	vadd.f32 v60, v3  }
0x232: {  	v18 =	vor.u32 $0x12, v1;
	v17 =	vld.idx.msk [tilespmem:v61+s9+$0x0], $0xffff  }
0x233: {  	v19 =	vmul.f32 v63, v63;
	v2 =	vadd.f32 v16, v2;
	v3 =	vadd.f32 v63, v3  }
0x234: {  	v21 =	vor.u32 $0x13, v1;
	v20 =	vld.idx.msk [tilespmem:v12+s9+$0x0], $0xffff  }
0x235: {  	v22 =	vmul.f32 v14, v14;
	v2 =	vadd.f32 v19, v2;
	v3 =	vadd.f32 v14, v3  }
0x236: {  	v24 =	vor.u32 $0x14, v1;
	v23 =	vld.idx.msk [tilespmem:v15+s9+$0x0], $0xffff  }
0x237: {  	v25 =	vmul.f32 v17, v17;
	v2 =	vadd.f32 v22, v2;
	v3 =	vadd.f32 v17, v3  }
0x238: {  	v27 =	vor.u32 $0x15, v1;
	v26 =	vld.idx.msk [tilespmem:v18+s9+$0x0], $0xffff  }
0x239: {  	v28 =	vmul.f32 v20, v20;
	v2 =	vadd.f32 v25, v2;
	v3 =	vadd.f32 v20, v3  }
0x23a: {  	v30 =	vor.u32 $0x16, v1;
	v29 =	vld.idx.msk [tilespmem:v21+s9+$0x0], $0xffff  }
0x23b: {  	v31 =	vmul.f32 v23, v23;
	v2 =	vadd.f32 v28, v2;
	v3 =	vadd.f32 v23, v3  }
0x23c: {  	v33 =	vor.u32 $0x17, v1;
	v32 =	vld.idx.msk [tilespmem:v24+s9+$0x0], $0xffff  }
0x23d: {  	v35 =	vld.idx.msk [tilespmem:v27+s9+$0x0], $0xffff;
	v34 =	vmul.f32 v26, v26;
	v2 =	vadd.f32 v31, v2;
	v3 =	vadd.f32 v26, v3  }
0x23e: {  	v36 =	vor.u32 $0x18, v1  }
0x23f: {  	v38 =	vld.idx.msk [tilespmem:v30+s9+$0x0], $0xffff;
	v37 =	vmul.f32 v29, v29;
	v2 =	vadd.f32 v34, v2;
	v3 =	vadd.f32 v29, v3  }
0x240: {  	v39 =	vor.u32 $0x19, v1  }
0x241: {  	v40 =	vmul.f32 v32, v32;
	v41 =	vld.idx.msk [tilespmem:v33+s9+$0x0], $0xffff;
	v2 =	vadd.f32 v37, v2;
	v3 =	vadd.f32 v32, v3  }
0x242: {  	v43 =	vmul.f32 v35, v35  }
0x243: {  	v44 =	vld.idx.msk [tilespmem:v36+s9+$0x0], $0xffff;
	v42 =	vor.u32 $0x1A, v1;
	v2 =	vadd.f32 v40, v2;
	v3 =	vadd.f32 v35, v3  }
0x244: {  	v46 =	vmul.f32 v38, v38  }
0x245: {  	v47 =	vld.idx.msk [tilespmem:v39+s9+$0x0], $0xffff;
	v45 =	vor.u32 $0x1B, v1;
	v2 =	vadd.f32 v43, v2;
	v3 =	vadd.f32 v38, v3  }
0x246: {  	v49 =	vmul.f32 v41, v41  }
0x247: {  	v48 =	vor.u32 $0x1C, v1;
	v2 =	vadd.f32 v46, v2;
	v3 =	vadd.f32 v41, v3  }
0x248: {  	v52 =	vmul.f32 v44, v44;
	v50 =	vld.idx.msk [tilespmem:v42+s9+$0x0], $0xffff  }
0x249: {  	v51 =	vor.u32 $0x1D, v1;
	v2 =	vadd.f32 v49, v2;
	v3 =	vadd.f32 v44, v3  }
0x24a: {  	v55 =	vmul.f32 v47, v47;
	v53 =	vld.idx.msk [tilespmem:v45+s9+$0x0], $0xffff  }
0x24b: {  	v54 =	vor.u32 $0x1E, v1;
	v2 =	vadd.f32 v52, v2;
	v3 =	vadd.f32 v47, v3  }
0x24c: {  	v1 =	vor.u32 $0x1F, v1;
	v56 =	vld.idx.msk [tilespmem:v48+s9+$0x0], $0xffff  }
0x24d: {  	v57 =	vmul.f32 v50, v50;
	v2 =	vadd.f32 v55, v2;
	v3 =	vadd.f32 v50, v3  }
0x24e: {  	v58 =	vld.idx.msk [tilespmem:v51+s9+$0x0], $0xffff  }
0x24f: {  	v59 =	vmul.f32 v53, v53;
	v2 =	vadd.f32 v57, v2;
	v3 =	vadd.f32 v53, v3  }
0x250: {  	v60 =	vld.idx.msk [tilespmem:v54+s9+$0x0], $0xffff  }
0x251: {  	v61 =	vmul.f32 v56, v56;
	v2 =	vadd.f32 v59, v2;
	v3 =	vadd.f32 v56, v3  }
0x252: {  	v1 =	vld.idx.msk [tilespmem:v1+s9+$0x0], $0xffff  }
0x253: {  	v62 =	vmul.f32 v58, v58;
	v2 =	vadd.f32 v61, v2;
	v3 =	vadd.f32 v58, v3;
	_ =	sdelay $0x1  }
0x254: {  	v63 =	vmul.f32 v60, v60;
	v2 =	vadd.f32 v62, v2;
	v3 =	vadd.f32 v60, v3;
	_ =	sdelay $0x1  }
0x255: {  	v2 =	vadd.f32 v63, v2;
	v3 =	vadd.f32 v1, v3;
	v1 =	vmul.f32 v1, v1;
	_ =	sdelay $0x1  }
0x256: {  	s17 =	sadd.s32 $0x1, s17;
	v1 =	vadd.f32 v1, v2;
	v2 =	vmul.f32 v3, v3  }
0x257: {  	p0 =	sne.s32 s17, $0xD  }
.Ltmp2:
0x258: {  	v1 =	vsub.f32 v2, v1;
	(pc) =	sbr.rel @p0 .LBB2_2-.Ltmp2, $4  }
0x259: {  	_ = 	snop  }
0x25a: {  	v1 =	vmul.f32 $5.000000000e-01, v1  }
0x25b: {  	s18 =	sadd.s32 $0x10, s18  }
0x25c: {  	s16 =	sadd.s32 $0x100, s16;
	s15 =	sadd.s32 $0x100, s15;
	[tilespmem:s18+$0x0] =	vst v1  }
0x25d: {  	s14 =	sadd.s32 $0x1, s14  }
0x25e: {  	p0 =	sne.s32 s14, s6  }
.Ltmp3:
0x25f: {  	_ = 	snop;
	(pc) =	sbr.rel @p0 .LBB2_1-.Ltmp3, $4  }
0x260: {  	[hbm4b:s5+s2] =	stream.linear.scatter [tilespmem:s13], [sflag:$0x3], $0xD00, $0x38;
	[tilespmem:$0x3A00] =	vst v63  }
0x261: {  	_ =	swait.ge [sflag:s7], $0xD00  }
0x262: {  	[sflag:s7] =	ssyncset.done $0x0  }
0x263: {  	[sflag:s7] =	ssyncadd.s32 $0xFFFFF300  }
0x264: {  	_ =	sfence.sel $0x180000  }
0x265: {  	[bflag:$0x0] =	sbarrier.arrive $0xFFFF  }
0x266: {  	p0 =	sne.s32 s0, $0x0;
	_ =	strace $0x90000047  }
0x267: {  	s0 =	sadd.s32 @!p0 $0x100000, s1;
	[bflag:$0x2] =	sbarrier.arrive $0xFFFF  }
0x268: {  	[sflag:s0] =	ssyncadd.tile.s32 @!p0 $0x1;
	_ =	shalt  }
.Lfunc_end2:
_tile_overlayer_lowered:
.L_overlay_start_2:
0x269: {  	(tag) =	ssettag $0x2  }
0x26a: {  	s0 =	rddreg [dreg:$0x0];
	s2 =	stileid.u32  }
0x26b: {  	s1 =	rddreg [dreg:$0x1];
	p0 =	sne.s32 s2, $0x0  }
0x26c: {  	s3 =	rddreg [dreg:$0x2];
	[bflag:$0x3] =	sbarrier.arrive $0xFFFF;
	s2 =	simm.s32 @!p0 $0x1C03  }
0x26d: {  	[timem:s3], [sflag:s2] =	dma.local @!p0 [hbm:s0], s1  }
0x26e: {  	s0 =	simm.s32 @!p0 $0x3  }
0x26f: {  	_ =	swait.ge @!p0 [sflag:s0], s1  }
0x270: {  	s1 =	ssub.s32 @!p0 $0x0, s1;
	[sflag:s0] =	ssyncset.done @!p0 $0x0  }
0x271: {  	[sflag:s0] =	ssyncadd.s32 @!p0 s1  }
0x272: {  	[bflag:$0x3] =	sbarrier.arrive $0xFFFF  }
0x273: {  	_ =	shalt  }

</sc_bundles>
